<compile_context>
chip_gen: v7x
topology: tpu7x:2x2x1
jax: 0.10.2.dev20260603
libtpu: 0.0.44.dev20260713+nightly
codegen_flags: <defaults>
</compile_context>

<pallas_src>
import functools

import jax
import jax.numpy as jnp
from jax import lax
from jax.experimental import pallas as pl
from jax.experimental.pallas import tpu as pltpu
from jax.experimental.pallas import tpu_sc as plsc

N_NODES = 50000
D_FEAT = 256
EMBED = 128
BATCH = 16384
NSAMP = 32

NUM_WORKERS = 32
BPW = BATCH // NUM_WORKERS
GRP = 128
NGRP = BPW // GRP


def _proj_body(f_ref, w1_ref, w2_ref, p1_ref, p2_ref):
    f = f_ref[...]
    p1_ref[...] = jnp.dot(f, w1_ref[...], preferred_element_type=jnp.float32)
    p2_ref[...] = jnp.dot(f, w2_ref[...], preferred_element_type=jnp.float32)


def _project(features, w1t, w2t):
    rows = 1000
    return pl.pallas_call(
        _proj_body,
        grid=(N_NODES // rows,),
        in_specs=[
            pl.BlockSpec((rows, D_FEAT), lambda i: (i, 0)),
            pl.BlockSpec((D_FEAT, EMBED), lambda i: (0, 0)),
            pl.BlockSpec((D_FEAT, EMBED), lambda i: (0, 0)),
        ],
        out_specs=[
            pl.BlockSpec((rows, EMBED), lambda i: (i, 0)),
            pl.BlockSpec((rows, EMBED), lambda i: (i, 0)),
        ],
        out_shape=[jax.ShapeDtypeStruct((N_NODES, EMBED), jnp.float32)] * 2,
    )(features, w1t, w2t)


def _relu_t_body(x_ref, o_ref):
    o_ref[...] = jnp.maximum(x_ref[...].T, 0.0)


def _relu_transpose(x):
    cols = 2048
    return pl.pallas_call(
        _relu_t_body,
        grid=(BATCH // cols,),
        in_specs=[pl.BlockSpec((cols, EMBED), lambda i: (i, 0))],
        out_specs=pl.BlockSpec((EMBED, cols), lambda i: (0, i)),
        out_shape=jax.ShapeDtypeStruct((EMBED, BATCH), jnp.float32),
    )(x)


def _sc_body(p1_hbm, p2_hbm, nodes_hbm, neight_hbm, out_hbm,
             nd_v, idx_v, acc_v, sem):
    wid = lax.axis_index("s") * 2 + lax.axis_index("c")
    base = wid * BPW

    nd_cp = pltpu.async_copy(nodes_hbm.at[pl.ds(base, BPW)], nd_v, sem)
    idx_cp = pltpu.async_copy(neight_hbm.at[:, pl.ds(base, BPW)], idx_v, sem)

    zero = jnp.zeros((16,), jnp.float32)

    def zero_rows(r, carry):
        for u in range(8):
            for f in range(EMBED // 16):
                acc_v[r * 8 + u, pl.ds(f * 16, 16)] = zero
        return carry

    lax.fori_loop(0, BPW // 8, zero_rows, 0)
    nd_cp.wait()
    idx_cp.wait()

    for q in range(NGRP):
        pltpu.async_copy(
            p1_hbm.at[nd_v.at[pl.ds(q * GRP, GRP)]],
            acc_v.at[pl.ds(q * GRP, GRP)], sem, add=True)

    def add_round(j, carry):
        for q in range(NGRP):
            pltpu.async_copy(
                p2_hbm.at[idx_v.at[j, pl.ds(q * GRP, GRP)]],
                acc_v.at[pl.ds(q * GRP, GRP)], sem, add=True)
        return carry

    lax.fori_loop(0, NSAMP, add_round, 0)

    def drain_round(j, carry):
        for q in range(NGRP):
            pltpu.make_async_copy(
                p2_hbm.at[idx_v.at[0, pl.ds(q * GRP, GRP)]],
                acc_v.at[pl.ds(q * GRP, GRP)], sem).wait()
        return carry

    lax.fori_loop(0, NSAMP + 1, drain_round, 0)

    pltpu.sync_copy(acc_v, out_hbm.at[pl.ds(base, BPW)])


_sc_gather = functools.partial(
    pl.kernel,
    mesh=plsc.VectorSubcoreMesh(core_axis_name="c", subcore_axis_name="s"),
    out_type=jax.ShapeDtypeStruct((BATCH, EMBED), jnp.float32),
    scratch_types=[
        pltpu.VMEM((BPW,), jnp.int32),
        pltpu.VMEM((NSAMP, BPW), jnp.int32),
        pltpu.VMEM((BPW, EMBED), jnp.float32),
        pltpu.SemaphoreType.DMA,
    ],
)(_sc_body)


def kernel(nodes, neigh_idx, features, weight):
    w1t = weight[:, :D_FEAT].T
    w2t = weight[:, D_FEAT:].T * (1.0 / NSAMP)
    p1, p2 = _project(features, w1t, w2t)
    neight = neigh_idx.T.astype(jnp.int32)
    pre = _sc_gather(p1, p2, nodes.astype(jnp.int32), neight)
    return _relu_transpose(pre)

# --- scband reference (transcript-rebuilt; emitter-appended) ---
"""Pipeline reference for scband-encoder-80418967650869 (READ-ONLY COPY).

The authoritative reference and input builder live on the scoring server;
editing this copy changes nothing except your own understanding.
"""

import jax, jax.numpy as jnp
import numpy as np

N_NODES = 50000
D_FEAT = 256
EMBED_DIM = 128
BATCH = 16384
NUM_SAMPLE = 32

def setup_inputs(seed: int = 0) -> dict:
    key = jax.random.key(seed)
    k1, k2, k3, k4 = jax.random.split(key, 4)
    nodes = jax.random.randint(k1, (BATCH,), 0, N_NODES, dtype=jnp.int64 if jax.config.jax_enable_x64 else jnp.int32)
    neigh_idx = jax.random.randint(k2, (BATCH, NUM_SAMPLE), 0, N_NODES, dtype=jnp.int64 if jax.config.jax_enable_x64 else jnp.int32)
    features = jax.random.normal(k3, (N_NODES, D_FEAT), dtype=jnp.float32)
    # xavier-uniform-like init for weight (embed_dim, 2*feat_dim) since gcn=False
    fan_in, fan_out = 2 * D_FEAT, EMBED_DIM
    bound = float(np.sqrt(6.0 / (fan_in + fan_out)))
    weight = jax.random.uniform(k4, (EMBED_DIM, 2 * D_FEAT), dtype=jnp.float32, minval=-bound, maxval=bound)
    return {"nodes": nodes, "neigh_idx": neigh_idx, "features": features, "weight": weight}

def reference(nodes, neigh_idx, features, weight):
    # Aggregator: mean of sampled neighbor features (MeanAggregator semantics)
    neigh_feats = jnp.take(features, neigh_idx, axis=0).mean(axis=1)  # [B, d_feat]
    # gcn=False: concat self features with neighbor features
    self_feats = jnp.take(features, nodes, axis=0)  # [B, d_feat]
    combined = jnp.concatenate([self_feats, neigh_feats], axis=1)  # [B, 2*d_feat]
    out = jax.nn.relu(weight @ combined.T)  # [embed_dim, B]
    return out

if __name__ == "__main__":
    import jax
    _d = setup_inputs()
    print(jax.jit(kernel)(*tuple(_d.values())))

</pallas_src>

<mosaic_0001>
#map = affine_map<(d0, d1) -> (0, 0)>
#map1 = affine_map<(d0, d1) -> (0)>
module attributes {stable_mosaic.version = 14 : i64} {
  func.func @_sc_body(%arg0: i32, %arg1: i32, %arg2: memref<50000x128xf32, #tpu.memory_space<hbm>>, %arg3: memref<50000x128xf32, #tpu.memory_space<hbm>>, %arg4: memref<16384xi32, #tpu.memory_space<hbm>>, %arg5: memref<32x16384xi32, #tpu.memory_space<hbm>>, %arg6: memref<16384x128xf32, #tpu.memory_space<hbm>>, %arg7: memref<512xi32, #tpu.memory_space<vmem>>, %arg8: memref<32x512xi32, #tpu.memory_space<vmem>>, %arg9: memref<512x128xf32, #tpu.memory_space<vmem>>, %arg10: memref<!tpu.dma_semaphore, #tpu.memory_space<semaphore_mem>>) attributes {dimension_semantics = [#tpu.dimension_semantics<core_parallel>, #tpu.dimension_semantics<subcore_parallel>], iteration_bounds = array<i64: 2, 16>, scalar_prefetch = 0 : i64, scratch_operands = 4 : i64, tpu.core_type = #tpu.core_type<sc_vector_subcore>, window_params = [{transform_indices = #map}, {transform_indices = #map}, {transform_indices = #map1}, {transform_indices = #map}, {transform_indices = #map}]} {
    %mul3A = arith.constant 2 : i32
    %mul3A_0 = arith.muli %arg1, %mul3A : i32
    %add3A = arith.addi %mul3A_0, %arg0 : i32
    %mul3A_1 = arith.constant 512 : i32
    %mul3A_2 = arith.muli %add3A, %mul3A_1 : i32
    %dma_start3A = tpu.memref_slice %arg4[%mul3A_2] : memref<16384xi32, #tpu.memory_space<hbm>> -> memref<512xi32, #tpu.memory_space<hbm>>
    %dma_start3A_3 = tpu.memref_slice %arg4[%mul3A_2] : memref<16384xi32, #tpu.memory_space<hbm>> -> memref<512xi32, #tpu.memory_space<hbm>>
    tpu.enqueue_dma source(%dma_start3A_3 : memref<512xi32, #tpu.memory_space<hbm>>) target(%arg7 : memref<512xi32, #tpu.memory_space<vmem>>) target_semaphore(%arg10 : memref<!tpu.dma_semaphore, #tpu.memory_space<semaphore_mem>>)
    %dma_start3A_4 = arith.constant 0 : i32
    %dma_start3A_5 = tpu.memref_slice %arg5[%dma_start3A_4, %mul3A_2] : memref<32x16384xi32, #tpu.memory_space<hbm>> -> memref<32x512xi32, #tpu.memory_space<hbm>>
    %dma_start3A_6 = arith.constant 0 : i32
    %dma_start3A_7 = tpu.memref_slice %arg5[%dma_start3A_6, %mul3A_2] : memref<32x16384xi32, #tpu.memory_space<hbm>> -> memref<32x512xi32, #tpu.memory_space<hbm>>
    tpu.enqueue_dma source(%dma_start3A_7 : memref<32x512xi32, #tpu.memory_space<hbm>>) target(%arg8 : memref<32x512xi32, #tpu.memory_space<vmem>>) target_semaphore(%arg10 : memref<!tpu.dma_semaphore, #tpu.memory_space<semaphore_mem>>)
    %broadcast_in_dim3A = arith.constant 0.000000e+00 : f32
    %broadcast_in_dim3A_8 = vector.broadcast %broadcast_in_dim3A : f32 to vector<16xf32>
    %scan3A = arith.constant 0 : i32
    %scan3A_9 = arith.constant 0 : i32
    %scan3A_10 = arith.constant 64 : i32
    %scan3A_11 = arith.addi %scan3A_9, %scan3A_10 : i32
    %scan3A_12 = arith.constant 1 : i32
    scf.for %scan3A_63 = %scan3A_9 to %scan3A_11 step %scan3A_12  : i32 {
      %mul3A_64 = arith.constant 8 : i32
      %mul3A_65 = arith.muli %scan3A_63, %mul3A_64 : i32
      %add3A_66 = arith.constant 0 : i32
      %add3A_67 = arith.addi %mul3A_65, %add3A_66 : i32
      %swap3A = arith.index_cast %add3A_67 : i32 to index
      %swap3A_68 = arith.constant 0 : index
      %swap3A_69 = tpu.vector_load %arg9[%swap3A, %swap3A_68] {strides = array<i32>} : memref<512x128xf32, #tpu.memory_space<vmem>>, vector<1x16xf32>,
      %swap3A_70 = vector.shape_cast %swap3A_69 : vector<1x16xf32> to vector<16xf32>
      %swap3A_71 = vector.shape_cast %broadcast_in_dim3A_8 : vector<16xf32> to vector<1x16xf32>
      tpu.vector_store %arg9[%swap3A, %swap3A_68], %swap3A_71 {strides = array<i32>} : memref<512x128xf32, #tpu.memory_space<vmem>>, vector<1x16xf32>,
      %mul3A_72 = arith.constant 8 : i32
      %mul3A_73 = arith.muli %scan3A_63, %mul3A_72 : i32
      %add3A_74 = arith.constant 0 : i32
      %add3A_75 = arith.addi %mul3A_73, %add3A_74 : i32
      %swap3A_76 = arith.index_cast %add3A_75 : i32 to index
      %swap3A_77 = arith.constant 16 : index
      %swap3A_78 = tpu.vector_load %arg9[%swap3A_76, %swap3A_77] {strides = array<i32>} : memref<512x128xf32, #tpu.memory_space<vmem>>, vector<1x16xf32>,
      %swap3A_79 = vector.shape_cast %swap3A_78 : vector<1x16xf32> to vector<16xf32>
      %swap3A_80 = vector.shape_cast %broadcast_in_dim3A_8 : vector<16xf32> to vector<1x16xf32>
      tpu.vector_store %arg9[%swap3A_76, %swap3A_77], %swap3A_80 {strides = array<i32>} : memref<512x128xf32, #tpu.memory_space<vmem>>, vector<1x16xf32>,
      %mul3A_81 = arith.constant 8 : i32
      %mul3A_82 = arith.muli %scan3A_63, %mul3A_81 : i32
      %add3A_83 = arith.constant 0 : i32
      %add3A_84 = arith.addi %mul3A_82, %add3A_83 : i32
      %swap3A_85 = arith.index_cast %add3A_84 : i32 to index
      %swap3A_86 = arith.constant 32 : index
      %swap3A_87 = tpu.vector_load %arg9[%swap3A_85, %swap3A_86] {strides = array<i32>} : memref<512x128xf32, #tpu.memory_space<vmem>>, vector<1x16xf32>,
      %swap3A_88 = vector.shape_cast %swap3A_87 : vector<1x16xf32> to vector<16xf32>
      %swap3A_89 = vector.shape_cast %broadcast_in_dim3A_8 : vector<16xf32> to vector<1x16xf32>
      tpu.vector_store %arg9[%swap3A_85, %swap3A_86], %swap3A_89 {strides = array<i32>} : memref<512x128xf32, #tpu.memory_space<vmem>>, vector<1x16xf32>,
      %mul3A_90 = arith.constant 8 : i32
      %mul3A_91 = arith.muli %scan3A_63, %mul3A_90 : i32
      %add3A_92 = arith.constant 0 : i32
      %add3A_93 = arith.addi %mul3A_91, %add3A_92 : i32
      %swap3A_94 = arith.index_cast %add3A_93 : i32 to index
      %swap3A_95 = arith.constant 48 : index
      %swap3A_96 = tpu.vector_load %arg9[%swap3A_94, %swap3A_95] {strides = array<i32>} : memref<512x128xf32, #tpu.memory_space<vmem>>, vector<1x16xf32>,
      %swap3A_97 = vector.shape_cast %swap3A_96 : vector<1x16xf32> to vector<16xf32>
      %swap3A_98 = vector.shape_cast %broadcast_in_dim3A_8 : vector<16xf32> to vector<1x16xf32>
      tpu.vector_store %arg9[%swap3A_94, %swap3A_95], %swap3A_98 {strides = array<i32>} : memref<512x128xf32, #tpu.memory_space<vmem>>, vector<1x16xf32>,
      %mul3A_99 = arith.constant 8 : i32
      %mul3A_100 = arith.muli %scan3A_63, %mul3A_99 : i32
      %add3A_101 = arith.constant 0 : i32
      %add3A_102 = arith.addi %mul3A_100, %add3A_101 : i32
      %swap3A_103 = arith.index_cast %add3A_102 : i32 to index
      %swap3A_104 = arith.constant 64 : index
      %swap3A_105 = tpu.vector_load %arg9[%swap3A_103, %swap3A_104] {strides = array<i32>} : memref<512x128xf32, #tpu.memory_space<vmem>>, vector<1x16xf32>,
      %swap3A_106 = vector.shape_cast %swap3A_105 : vector<1x16xf32> to vector<16xf32>
      %swap3A_107 = vector.shape_cast %broadcast_in_dim3A_8 : vector<16xf32> to vector<1x16xf32>
      tpu.vector_store %arg9[%swap3A_103, %swap3A_104], %swap3A_107 {strides = array<i32>} : memref<512x128xf32, #tpu.memory_space<vmem>>, vector<1x16xf32>,
      %mul3A_108 = arith.constant 8 : i32
      %mul3A_109 = arith.muli %scan3A_63, %mul3A_108 : i32
      %add3A_110 = arith.constant 0 : i32
      %add3A_111 = arith.addi %mul3A_109, %add3A_110 : i32
      %swap3A_112 = arith.index_cast %add3A_111 : i32 to index
      %swap3A_113 = arith.constant 80 : index
      %swap3A_114 = tpu.vector_load %arg9[%swap3A_112, %swap3A_113] {strides = array<i32>} : memref<512x128xf32, #tpu.memory_space<vmem>>, vector<1x16xf32>,
      %swap3A_115 = vector.shape_cast %swap3A_114 : vector<1x16xf32> to vector<16xf32>
      %swap3A_116 = vector.shape_cast %broadcast_in_dim3A_8 : vector<16xf32> to vector<1x16xf32>
      tpu.vector_store %arg9[%swap3A_112, %swap3A_113], %swap3A_116 {strides = array<i32>} : memref<512x128xf32, #tpu.memory_space<vmem>>, vector<1x16xf32>,
      %mul3A_117 = arith.constant 8 : i32
      %mul3A_118 = arith.muli %scan3A_63, %mul3A_117 : i32
      %add3A_119 = arith.constant 0 : i32
      %add3A_120 = arith.addi %mul3A_118, %add3A_119 : i32
      %swap3A_121 = arith.index_cast %add3A_120 : i32 to index
      %swap3A_122 = arith.constant 96 : index
      %swap3A_123 = tpu.vector_load %arg9[%swap3A_121, %swap3A_122] {strides = array<i32>} : memref<512x128xf32, #tpu.memory_space<vmem>>, vector<1x16xf32>,
      %swap3A_124 = vector.shape_cast %swap3A_123 : vector<1x16xf32> to vector<16xf32>
      %swap3A_125 = vector.shape_cast %broadcast_in_dim3A_8 : vector<16xf32> to vector<1x16xf32>
      tpu.vector_store %arg9[%swap3A_121, %swap3A_122], %swap3A_125 {strides = array<i32>} : memref<512x128xf32, #tpu.memory_space<vmem>>, vector<1x16xf32>,
      %mul3A_126 = arith.constant 8 : i32
      %mul3A_127 = arith.muli %scan3A_63, %mul3A_126 : i32
      %add3A_128 = arith.constant 0 : i32
      %add3A_129 = arith.addi %mul3A_127, %add3A_128 : i32
      %swap3A_130 = arith.index_cast %add3A_129 : i32 to index
      %swap3A_131 = arith.constant 112 : index
      %swap3A_132 = tpu.vector_load %arg9[%swap3A_130, %swap3A_131] {strides = array<i32>} : memref<512x128xf32, #tpu.memory_space<vmem>>, vector<1x16xf32>,
      %swap3A_133 = vector.shape_cast %swap3A_132 : vector<1x16xf32> to vector<16xf32>
      %swap3A_134 = vector.shape_cast %broadcast_in_dim3A_8 : vector<16xf32> to vector<1x16xf32>
      tpu.vector_store %arg9[%swap3A_130, %swap3A_131], %swap3A_134 {strides = array<i32>} : memref<512x128xf32, #tpu.memory_space<vmem>>, vector<1x16xf32>,
      %mul3A_135 = arith.constant 8 : i32
      %mul3A_136 = arith.muli %scan3A_63, %mul3A_135 : i32
      %add3A_137 = arith.constant 1 : i32
      %add3A_138 = arith.addi %mul3A_136, %add3A_137 : i32
      %swap3A_139 = arith.index_cast %add3A_138 : i32 to index
      %swap3A_140 = arith.constant 0 : index
      %swap3A_141 = tpu.vector_load %arg9[%swap3A_139, %swap3A_140] {strides = array<i32>} : memref<512x128xf32, #tpu.memory_space<vmem>>, vector<1x16xf32>,
      %swap3A_142 = vector.shape_cast %swap3A_141 : vector<1x16xf32> to vector<16xf32>
      %swap3A_143 = vector.shape_cast %broadcast_in_dim3A_8 : vector<16xf32> to vector<1x16xf32>
      tpu.vector_store %arg9[%swap3A_139, %swap3A_140], %swap3A_143 {strides = array<i32>} : memref<512x128xf32, #tpu.memory_space<vmem>>, vector<1x16xf32>,
      %mul3A_144 = arith.constant 8 : i32
      %mul3A_145 = arith.muli %scan3A_63, %mul3A_144 : i32
      %add3A_146 = arith.constant 1 : i32
      %add3A_147 = arith.addi %mul3A_145, %add3A_146 : i32
      %swap3A_148 = arith.index_cast %add3A_147 : i32 to index
      %swap3A_149 = arith.constant 16 : index
      %swap3A_150 = tpu.vector_load %arg9[%swap3A_148, %swap3A_149] {strides = array<i32>} : memref<512x128xf32, #tpu.memory_space<vmem>>, vector<1x16xf32>,
      %swap3A_151 = vector.shape_cast %swap3A_150 : vector<1x16xf32> to vector<16xf32>
      %swap3A_152 = vector.shape_cast %broadcast_in_dim3A_8 : vector<16xf32> to vector<1x16xf32>
      tpu.vector_store %arg9[%swap3A_148, %swap3A_149], %swap3A_152 {strides = array<i32>} : memref<512x128xf32, #tpu.memory_space<vmem>>, vector<1x16xf32>,
      %mul3A_153 = arith.constant 8 : i32
      %mul3A_154 = arith.muli %scan3A_63, %mul3A_153 : i32
      %add3A_155 = arith.constant 1 : i32
      %add3A_156 = arith.addi %mul3A_154, %add3A_155 : i32
      %swap3A_157 = arith.index_cast %add3A_156 : i32 to index
      %swap3A_158 = arith.constant 32 : index
      %swap3A_159 = tpu.vector_load %arg9[%swap3A_157, %swap3A_158] {strides = array<i32>} : memref<512x128xf32, #tpu.memory_space<vmem>>, vector<1x16xf32>,
      %swap3A_160 = vector.shape_cast %swap3A_159 : vector<1x16xf32> to vector<16xf32>
      %swap3A_161 = vector.shape_cast %broadcast_in_dim3A_8 : vector<16xf32> to vector<1x16xf32>
      tpu.vector_store %arg9[%swap3A_157, %swap3A_158], %swap3A_161 {strides = array<i32>} : memref<512x128xf32, #tpu.memory_space<vmem>>, vector<1x16xf32>,
      %mul3A_162 = arith.constant 8 : i32
      %mul3A_163 = arith.muli %scan3A_63, %mul3A_162 : i32
      %add3A_164 = arith.constant 1 : i32
      %add3A_165 = arith.addi %mul3A_163, %add3A_164 : i32
      %swap3A_166 = arith.index_cast %add3A_165 : i32 to index
      %swap3A_167 = arith.constant 48 : index
      %swap3A_168 = tpu.vector_load %arg9[%swap3A_166, %swap3A_167] {strides = array<i32>} : memref<512x128xf32, #tpu.memory_space<vmem>>, vector<1x16xf32>,
      %swap3A_169 = vector.shape_cast %swap3A_168 : vector<1x16xf32> to vector<16xf32>
      %swap3A_170 = vector.shape_cast %broadcast_in_dim3A_8 : vector<16xf32> to vector<1x16xf32>
      tpu.vector_store %arg9[%swap3A_166, %swap3A_167], %swap3A_170 {strides = array<i32>} : memref<512x128xf32, #tpu.memory_space<vmem>>, vector<1x16xf32>,
      %mul3A_171 = arith.constant 8 : i32
      %mul3A_172 = arith.muli %scan3A_63, %mul3A_171 : i32
      %add3A_173 = arith.constant 1 : i32
      %add3A_174 = arith.addi %mul3A_172, %add3A_173 : i32
      %swap3A_175 = arith.index_cast %add3A_174 : i32 to index
      %swap3A_176 = arith.constant 64 : index
      %swap3A_177 = tpu.vector_load %arg9[%swap3A_175, %swap3A_176] {strides = array<i32>} : memref<512x128xf32, #tpu.memory_space<vmem>>, vector<1x16xf32>,
      %swap3A_178 = vector.shape_cast %swap3A_177 : vector<1x16xf32> to vector<16xf32>
      %swap3A_179 = vector.shape_cast %broadcast_in_dim3A_8 : vector<16xf32> to vector<1x16xf32>
      tpu.vector_store %arg9[%swap3A_175, %swap3A_176], %swap3A_179 {strides = array<i32>} : memref<512x128xf32, #tpu.memory_space<vmem>>, vector<1x16xf32>,
      %mul3A_180 = arith.constant 8 : i32
      %mul3A_181 = arith.muli %scan3A_63, %mul3A_180 : i32
      %add3A_182 = arith.constant 1 : i32
      %add3A_183 = arith.addi %mul3A_181, %add3A_182 : i32
      %swap3A_184 = arith.index_cast %add3A_183 : i32 to index
      %swap3A_185 = arith.constant 80 : index
      %swap3A_186 = tpu.vector_load %arg9[%swap3A_184, %swap3A_185] {strides = array<i32>} : memref<512x128xf32, #tpu.memory_space<vmem>>, vector<1x16xf32>,
      %swap3A_187 = vector.shape_cast %swap3A_186 : vector<1x16xf32> to vector<16xf32>
      %swap3A_188 = vector.shape_cast %broadcast_in_dim3A_8 : vector<16xf32> to vector<1x16xf32>
      tpu.vector_store %arg9[%swap3A_184, %swap3A_185], %swap3A_188 {strides = array<i32>} : memref<512x128xf32, #tpu.memory_space<vmem>>, vector<1x16xf32>,
      %mul3A_189 = arith.constant 8 : i32
      %mul3A_190 = arith.muli %scan3A_63, %mul3A_189 : i32
      %add3A_191 = arith.constant 1 : i32
      %add3A_192 = arith.addi %mul3A_190, %add3A_191 : i32
      %swap3A_193 = arith.index_cast %add3A_192 : i32 to index
      %swap3A_194 = arith.constant 96 : index
      %swap3A_195 = tpu.vector_load %arg9[%swap3A_193, %swap3A_194] {strides = array<i32>} : memref<512x128xf32, #tpu.memory_space<vmem>>, vector<1x16xf32>,
      %swap3A_196 = vector.shape_cast %swap3A_195 : vector<1x16xf32> to vector<16xf32>
      %swap3A_197 = vector.shape_cast %broadcast_in_dim3A_8 : vector<16xf32> to vector<1x16xf32>
      tpu.vector_store %arg9[%swap3A_193, %swap3A_194], %swap3A_197 {strides = array<i32>} : memref<512x128xf32, #tpu.memory_space<vmem>>, vector<1x16xf32>,
      %mul3A_198 = arith.constant 8 : i32
      %mul3A_199 = arith.muli %scan3A_63, %mul3A_198 : i32
      %add3A_200 = arith.constant 1 : i32
      %add3A_201 = arith.addi %mul3A_199, %add3A_200 : i32
      %swap3A_202 = arith.index_cast %add3A_201 : i32 to index
      %swap3A_203 = arith.constant 112 : index
      %swap3A_204 = tpu.vector_load %arg9[%swap3A_202, %swap3A_203] {strides = array<i32>} : memref<512x128xf32, #tpu.memory_space<vmem>>, vector<1x16xf32>,
      %swap3A_205 = vector.shape_cast %swap3A_204 : vector<1x16xf32> to vector<16xf32>
      %swap3A_206 = vector.shape_cast %broadcast_in_dim3A_8 : vector<16xf32> to vector<1x16xf32>
      tpu.vector_store %arg9[%swap3A_202, %swap3A_203], %swap3A_206 {strides = array<i32>} : memref<512x128xf32, #tpu.memory_space<vmem>>, vector<1x16xf32>,
      %mul3A_207 = arith.constant 8 : i32
      %mul3A_208 = arith.muli %scan3A_63, %mul3A_207 : i32
      %add3A_209 = arith.constant 2 : i32
      %add3A_210 = arith.addi %mul3A_208, %add3A_209 : i32
      %swap3A_211 = arith.index_cast %add3A_210 : i32 to index
      %swap3A_212 = arith.constant 0 : index
      %swap3A_213 = tpu.vector_load %arg9[%swap3A_211, %swap3A_212] {strides = array<i32>} : memref<512x128xf32, #tpu.memory_space<vmem>>, vector<1x16xf32>,
      %swap3A_214 = vector.shape_cast %swap3A_213 : vector<1x16xf32> to vector<16xf32>
      %swap3A_215 = vector.shape_cast %broadcast_in_dim3A_8 : vector<16xf32> to vector<1x16xf32>
      tpu.vector_store %arg9[%swap3A_211, %swap3A_212], %swap3A_215 {strides = array<i32>} : memref<512x128xf32, #tpu.memory_space<vmem>>, vector<1x16xf32>,
      %mul3A_216 = arith.constant 8 : i32
      %mul3A_217 = arith.muli %scan3A_63, %mul3A_216 : i32
      %add3A_218 = arith.constant 2 : i32
      %add3A_219 = arith.addi %mul3A_217, %add3A_218 : i32
      %swap3A_220 = arith.index_cast %add3A_219 : i32 to index
      %swap3A_221 = arith.constant 16 : index
      %swap3A_222 = tpu.vector_load %arg9[%swap3A_220, %swap3A_221] {strides = array<i32>} : memref<512x128xf32, #tpu.memory_space<vmem>>, vector<1x16xf32>,
      %swap3A_223 = vector.shape_cast %swap3A_222 : vector<1x16xf32> to vector<16xf32>
      %swap3A_224 = vector.shape_cast %broadcast_in_dim3A_8 : vector<16xf32> to vector<1x16xf32>
      tpu.vector_store %arg9[%swap3A_220, %swap3A_221], %swap3A_224 {strides = array<i32>} : memref<512x128xf32, #tpu.memory_space<vmem>>, vector<1x16xf32>,
      %mul3A_225 = arith.constant 8 : i32
      %mul3A_226 = arith.muli %scan3A_63, %mul3A_225 : i32
      %add3A_227 = arith.constant 2 : i32
      %add3A_228 = arith.addi %mul3A_226, %add3A_227 : i32
      %swap3A_229 = arith.index_cast %add3A_228 : i32 to index
      %swap3A_230 = arith.constant 32 : index
      %swap3A_231 = tpu.vector_load %arg9[%swap3A_229, %swap3A_230] {strides = array<i32>} : memref<512x128xf32, #tpu.memory_space<vmem>>, vector<1x16xf32>,
      %swap3A_232 = vector.shape_cast %swap3A_231 : vector<1x16xf32> to vector<16xf32>
      %swap3A_233 = vector.shape_cast %broadcast_in_dim3A_8 : vector<16xf32> to vector<1x16xf32>
      tpu.vector_store %arg9[%swap3A_229, %swap3A_230], %swap3A_233 {strides = array<i32>} : memref<512x128xf32, #tpu.memory_space<vmem>>, vector<1x16xf32>,
      %mul3A_234 = arith.constant 8 : i32
      %mul3A_235 = arith.muli %scan3A_63, %mul3A_234 : i32
      %add3A_236 = arith.constant 2 : i32
      %add3A_237 = arith.addi %mul3A_235, %add3A_236 : i32
      %swap3A_238 = arith.index_cast %add3A_237 : i32 to index
      %swap3A_239 = arith.constant 48 : index
      %swap3A_240 = tpu.vector_load %arg9[%swap3A_238, %swap3A_239] {strides = array<i32>} : memref<512x128xf32, #tpu.memory_space<vmem>>, vector<1x16xf32>,
      %swap3A_241 = vector.shape_cast %swap3A_240 : vector<1x16xf32> to vector<16xf32>
      %swap3A_242 = vector.shape_cast %broadcast_in_dim3A_8 : vector<16xf32> to vector<1x16xf32>
      tpu.vector_store %arg9[%swap3A_238, %swap3A_239], %swap3A_242 {strides = array<i32>} : memref<512x128xf32, #tpu.memory_space<vmem>>, vector<1x16xf32>,
      %mul3A_243 = arith.constant 8 : i32
      %mul3A_244 = arith.muli %scan3A_63, %mul3A_243 : i32
      %add3A_245 = arith.constant 2 : i32
      %add3A_246 = arith.addi %mul3A_244, %add3A_245 : i32
      %swap3A_247 = arith.index_cast %add3A_246 : i32 to index
      %swap3A_248 = arith.constant 64 : index
      %swap3A_249 = tpu.vector_load %arg9[%swap3A_247, %swap3A_248] {strides = array<i32>} : memref<512x128xf32, #tpu.memory_space<vmem>>, vector<1x16xf32>,
      %swap3A_250 = vector.shape_cast %swap3A_249 : vector<1x16xf32> to vector<16xf32>
      %swap3A_251 = vector.shape_cast %broadcast_in_dim3A_8 : vector<16xf32> to vector<1x16xf32>
      tpu.vector_store %arg9[%swap3A_247, %swap3A_248], %swap3A_251 {strides = array<i32>} : memref<512x128xf32, #tpu.memory_space<vmem>>, vector<1x16xf32>,
      %mul3A_252 = arith.constant 8 : i32
      %mul3A_253 = arith.muli %scan3A_63, %mul3A_252 : i32
      %add3A_254 = arith.constant 2 : i32
      %add3A_255 = arith.addi %mul3A_253, %add3A_254 : i32
      %swap3A_256 = arith.index_cast %add3A_255 : i32 to index
      %swap3A_257 = arith.constant 80 : index
      %swap3A_258 = tpu.vector_load %arg9[%swap3A_256, %swap3A_257] {strides = array<i32>} : memref<512x128xf32, #tpu.memory_space<vmem>>, vector<1x16xf32>,
      %swap3A_259 = vector.shape_cast %swap3A_258 : vector<1x16xf32> to vector<16xf32>
      %swap3A_260 = vector.shape_cast %broadcast_in_dim3A_8 : vector<16xf32> to vector<1x16xf32>
      tpu.vector_store %arg9[%swap3A_256, %swap3A_257], %swap3A_260 {strides = array<i32>} : memref<512x128xf32, #tpu.memory_space<vmem>>, vector<1x16xf32>,
      %mul3A_261 = arith.constant 8 : i32
      %mul3A_262 = arith.muli %scan3A_63, %mul3A_261 : i32
      %add3A_263 = arith.constant 2 : i32
      %add3A_264 = arith.addi %mul3A_262, %add3A_263 : i32
      %swap3A_265 = arith.index_cast %add3A_264 : i32 to index
      %swap3A_266 = arith.constant 96 : index
      %swap3A_267 = tpu.vector_load %arg9[%swap3A_265, %swap3A_266] {strides = array<i32>} : memref<512x128xf32, #tpu.memory_space<vmem>>, vector<1x16xf32>,
      %swap3A_268 = vector.shape_cast %swap3A_267 : vector<1x16xf32> to vector<16xf32>
      %swap3A_269 = vector.shape_cast %broadcast_in_dim3A_8 : vector<16xf32> to vector<1x16xf32>
      tpu.vector_store %arg9[%swap3A_265, %swap3A_266], %swap3A_269 {strides = array<i32>} : memref<512x128xf32, #tpu.memory_space<vmem>>, vector<1x16xf32>,
      %mul3A_270 = arith.constant 8 : i32
      %mul3A_271 = arith.muli %scan3A_63, %mul3A_270 : i32
      %add3A_272 = arith.constant 2 : i32
      %add3A_273 = arith.addi %mul3A_271, %add3A_272 : i32
      %swap3A_274 = arith.index_cast %add3A_273 : i32 to index
      %swap3A_275 = arith.constant 112 : index
      %swap3A_276 = tpu.vector_load %arg9[%swap3A_274, %swap3A_275] {strides = array<i32>} : memref<512x128xf32, #tpu.memory_space<vmem>>, vector<1x16xf32>,
      %swap3A_277 = vector.shape_cast %swap3A_276 : vector<1x16xf32> to vector<16xf32>
      %swap3A_278 = vector.shape_cast %broadcast_in_dim3A_8 : vector<16xf32> to vector<1x16xf32>
      tpu.vector_store %arg9[%swap3A_274, %swap3A_275], %swap3A_278 {strides = array<i32>} : memref<512x128xf32, #tpu.memory_space<vmem>>, vector<1x16xf32>,
      %mul3A_279 = arith.constant 8 : i32
      %mul3A_280 = arith.muli %scan3A_63, %mul3A_279 : i32
      %add3A_281 = arith.constant 3 : i32
      %add3A_282 = arith.addi %mul3A_280, %add3A_281 : i32
      %swap3A_283 = arith.index_cast %add3A_282 : i32 to index
      %swap3A_284 = arith.constant 0 : index
      %swap3A_285 = tpu.vector_load %arg9[%swap3A_283, %swap3A_284] {strides = array<i32>} : memref<512x128xf32, #tpu.memory_space<vmem>>, vector<1x16xf32>,
      %swap3A_286 = vector.shape_cast %swap3A_285 : vector<1x16xf32> to vector<16xf32>
      %swap3A_287 = vector.shape_cast %broadcast_in_dim3A_8 : vector<16xf32> to vector<1x16xf32>
      tpu.vector_store %arg9[%swap3A_283, %swap3A_284], %swap3A_287 {strides = array<i32>} : memref<512x128xf32, #tpu.memory_space<vmem>>, vector<1x16xf32>,
      %mul3A_288 = arith.constant 8 : i32
      %mul3A_289 = arith.muli %scan3A_63, %mul3A_288 : i32
      %add3A_290 = arith.constant 3 : i32
      %add3A_291 = arith.addi %mul3A_289, %add3A_290 : i32
      %swap3A_292 = arith.index_cast %add3A_291 : i32 to index
      %swap3A_293 = arith.constant 16 : index
      %swap3A_294 = tpu.vector_load %arg9[%swap3A_292, %swap3A_293] {strides = array<i32>} : memref<512x128xf32, #tpu.memory_space<vmem>>, vector<1x16xf32>,
      %swap3A_295 = vector.shape_cast %swap3A_294 : vector<1x16xf32> to vector<16xf32>
      %swap3A_296 = vector.shape_cast %broadcast_in_dim3A_8 : vector<16xf32> to vector<1x16xf32>
      tpu.vector_store %arg9[%swap3A_292, %swap3A_293], %swap3A_296 {strides = array<i32>} : memref<512x128xf32, #tpu.memory_space<vmem>>, vector<1x16xf32>,
      %mul3A_297 = arith.constant 8 : i32
      %mul3A_298 = arith.muli %scan3A_63, %mul3A_297 : i32
      %add3A_299 = arith.constant 3 : i32
      %add3A_300 = arith.addi %mul3A_298, %add3A_299 : i32
      %swap3A_301 = arith.index_cast %add3A_300 : i32 to index
      %swap3A_302 = arith.constant 32 : index
      %swap3A_303 = tpu.vector_load %arg9[%swap3A_301, %swap3A_302] {strides = array<i32>} : memref<512x128xf32, #tpu.memory_space<vmem>>, vector<1x16xf32>,
      %swap3A_304 = vector.shape_cast %swap3A_303 : vector<1x16xf32> to vector<16xf32>
      %swap3A_305 = vector.shape_cast %broadcast_in_dim3A_8 : vector<16xf32> to vector<1x16xf32>
      tpu.vector_store %arg9[%swap3A_301, %swap3A_302], %swap3A_305 {strides = array<i32>} : memref<512x128xf32, #tpu.memory_space<vmem>>, vector<1x16xf32>,
      %mul3A_306 = arith.constant 8 : i32
      %mul3A_307 = arith.muli %scan3A_63, %mul3A_306 : i32
      %add3A_308 = arith.constant 3 : i32
      %add3A_309 = arith.addi %mul3A_307, %add3A_308 : i32
      %swap3A_310 = arith.index_cast %add3A_309 : i32 to index
      %swap3A_311 = arith.constant 48 : index
      %swap3A_312 = tpu.vector_load %arg9[%swap3A_310, %swap3A_311] {strides = array<i32>} : memref<512x128xf32, #tpu.memory_space<vmem>>, vector<1x16xf32>,
      %swap3A_313 = vector.shape_cast %swap3A_312 : vector<1x16xf32> to vector<16xf32>
      %swap3A_314 = vector.shape_cast %broadcast_in_dim3A_8 : vector<16xf32> to vector<1x16xf32>
      tpu.vector_store %arg9[%swap3A_310, %swap3A_311], %swap3A_314 {strides = array<i32>} : memref<512x128xf32, #tpu.memory_space<vmem>>, vector<1x16xf32>,
      %mul3A_315 = arith.constant 8 : i32
      %mul3A_316 = arith.muli %scan3A_63, %mul3A_315 : i32
      %add3A_317 = arith.constant 3 : i32
      %add3A_318 = arith.addi %mul3A_316, %add3A_317 : i32
      %swap3A_319 = arith.index_cast %add3A_318 : i32 to index
      %swap3A_320 = arith.constant 64 : index
      %swap3A_321 = tpu.vector_load %arg9[%swap3A_319, %swap3A_320] {strides = array<i32>} : memref<512x128xf32, #tpu.memory_space<vmem>>, vector<1x16xf32>,
      %swap3A_322 = vector.shape_cast %swap3A_321 : vector<1x16xf32> to vector<16xf32>
      %swap3A_323 = vector.shape_cast %broadcast_in_dim3A_8 : vector<16xf32> to vector<1x16xf32>
      tpu.vector_store %arg9[%swap3A_319, %swap3A_320], %swap3A_323 {strides = array<i32>} : memref<512x128xf32, #tpu.memory_space<vmem>>, vector<1x16xf32>,
      %mul3A_324 = arith.constant 8 : i32
      %mul3A_325 = arith.muli %scan3A_63, %mul3A_324 : i32
      %add3A_326 = arith.constant 3 : i32
      %add3A_327 = arith.addi %mul3A_325, %add3A_326 : i32
      %swap3A_328 = arith.index_cast %add3A_327 : i32 to index
      %swap3A_329 = arith.constant 80 : index
      %swap3A_330 = tpu.vector_load %arg9[%swap3A_328, %swap3A_329] {strides = array<i32>} : memref<512x128xf32, #tpu.memory_space<vmem>>, vector<1x16xf32>,
      %swap3A_331 = vector.shape_cast %swap3A_330 : vector<1x16xf32> to vector<16xf32>
      %swap3A_332 = vector.shape_cast %broadcast_in_dim3A_8 : vector<16xf32> to vector<1x16xf32>
      tpu.vector_store %arg9[%swap3A_328, %swap3A_329], %swap3A_332 {strides = array<i32>} : memref<512x128xf32, #tpu.memory_space<vmem>>, vector<1x16xf32>,
      %mul3A_333 = arith.constant 8 : i32
      %mul3A_334 = arith.muli %scan3A_63, %mul3A_333 : i32
      %add3A_335 = arith.constant 3 : i32
      %add3A_336 = arith.addi %mul3A_334, %add3A_335 : i32
      %swap3A_337 = arith.index_cast %add3A_336 : i32 to index
      %swap3A_338 = arith.constant 96 : index
      %swap3A_339 = tpu.vector_load %arg9[%swap3A_337, %swap3A_338] {strides = array<i32>} : memref<512x128xf32, #tpu.memory_space<vmem>>, vector<1x16xf32>,
      %swap3A_340 = vector.shape_cast %swap3A_339 : vector<1x16xf32> to vector<16xf32>
      %swap3A_341 = vector.shape_cast %broadcast_in_dim3A_8 : vector<16xf32> to vector<1x16xf32>
      tpu.vector_store %arg9[%swap3A_337, %swap3A_338], %swap3A_341 {strides = array<i32>} : memref<512x128xf32, #tpu.memory_space<vmem>>, vector<1x16xf32>,
      %mul3A_342 = arith.constant 8 : i32
      %mul3A_343 = arith.muli %scan3A_63, %mul3A_342 : i32
      %add3A_344 = arith.constant 3 : i32
      %add3A_345 = arith.addi %mul3A_343, %add3A_344 : i32
      %swap3A_346 = arith.index_cast %add3A_345 : i32 to index
      %swap3A_347 = arith.constant 112 : index
      %swap3A_348 = tpu.vector_load %arg9[%swap3A_346, %swap3A_347] {strides = array<i32>} : memref<512x128xf32, #tpu.memory_space<vmem>>, vector<1x16xf32>,
      %swap3A_349 = vector.shape_cast %swap3A_348 : vector<1x16xf32> to vector<16xf32>
      %swap3A_350 = vector.shape_cast %broadcast_in_dim3A_8 : vector<16xf32> to vector<1x16xf32>
      tpu.vector_store %arg9[%swap3A_346, %swap3A_347], %swap3A_350 {strides = array<i32>} : memref<512x128xf32, #tpu.memory_space<vmem>>, vector<1x16xf32>,
      %mul3A_351 = arith.constant 8 : i32
      %mul3A_352 = arith.muli %scan3A_63, %mul3A_351 : i32
      %add3A_353 = arith.constant 4 : i32
      %add3A_354 = arith.addi %mul3A_352, %add3A_353 : i32
      %swap3A_355 = arith.index_cast %add3A_354 : i32 to index
      %swap3A_356 = arith.constant 0 : index
      %swap3A_357 = tpu.vector_load %arg9[%swap3A_355, %swap3A_356] {strides = array<i32>} : memref<512x128xf32, #tpu.memory_space<vmem>>, vector<1x16xf32>,
      %swap3A_358 = vector.shape_cast %swap3A_357 : vector<1x16xf32> to vector<16xf32>
      %swap3A_359 = vector.shape_cast %broadcast_in_dim3A_8 : vector<16xf32> to vector<1x16xf32>
      tpu.vector_store %arg9[%swap3A_355, %swap3A_356], %swap3A_359 {strides = array<i32>} : memref<512x128xf32, #tpu.memory_space<vmem>>, vector<1x16xf32>,
      %mul3A_360 = arith.constant 8 : i32
      %mul3A_361 = arith.muli %scan3A_63, %mul3A_360 : i32
      %add3A_362 = arith.constant 4 : i32
      %add3A_363 = arith.addi %mul3A_361, %add3A_362 : i32
      %swap3A_364 = arith.index_cast %add3A_363 : i32 to index
      %swap3A_365 = arith.constant 16 : index
      %swap3A_366 = tpu.vector_load %arg9[%swap3A_364, %swap3A_365] {strides = array<i32>} : memref<512x128xf32, #tpu.memory_space<vmem>>, vector<1x16xf32>,
      %swap3A_367 = vector.shape_cast %swap3A_366 : vector<1x16xf32> to vector<16xf32>
      %swap3A_368 = vector.shape_cast %broadcast_in_dim3A_8 : vector<16xf32> to vector<1x16xf32>
      tpu.vector_store %arg9[%swap3A_364, %swap3A_365], %swap3A_368 {strides = array<i32>} : memref<512x128xf32, #tpu.memory_space<vmem>>, vector<1x16xf32>,
      %mul3A_369 = arith.constant 8 : i32
      %mul3A_370 = arith.muli %scan3A_63, %mul3A_369 : i32
      %add3A_371 = arith.constant 4 : i32
      %add3A_372 = arith.addi %mul3A_370, %add3A_371 : i32
      %swap3A_373 = arith.index_cast %add3A_372 : i32 to index
      %swap3A_374 = arith.constant 32 : index
      %swap3A_375 = tpu.vector_load %arg9[%swap3A_373, %swap3A_374] {strides = array<i32>} : memref<512x128xf32, #tpu.memory_space<vmem>>, vector<1x16xf32>,
      %swap3A_376 = vector.shape_cast %swap3A_375 : vector<1x16xf32> to vector<16xf32>
      %swap3A_377 = vector.shape_cast %broadcast_in_dim3A_8 : vector<16xf32> to vector<1x16xf32>
      tpu.vector_store %arg9[%swap3A_373, %swap3A_374], %swap3A_377 {strides = array<i32>} : memref<512x128xf32, #tpu.memory_space<vmem>>, vector<1x16xf32>,
      %mul3A_378 = arith.constant 8 : i32
      %mul3A_379 = arith.muli %scan3A_63, %mul3A_378 : i32
      %add3A_380 = arith.constant 4 : i32
      %add3A_381 = arith.addi %mul3A_379, %add3A_380 : i32
      %swap3A_382 = arith.index_cast %add3A_381 : i32 to index
      %swap3A_383 = arith.constant 48 : index
      %swap3A_384 = tpu.vector_load %arg9[%swap3A_382, %swap3A_383] {strides = array<i32>} : memref<512x128xf32, #tpu.memory_space<vmem>>, vector<1x16xf32>,
      %swap3A_385 = vector.shape_cast %swap3A_384 : vector<1x16xf32> to vector<16xf32>
      %swap3A_386 = vector.shape_cast %broadcast_in_dim3A_8 : vector<16xf32> to vector<1x16xf32>
      tpu.vector_store %arg9[%swap3A_382, %swap3A_383], %swap3A_386 {strides = array<i32>} : memref<512x128xf32, #tpu.memory_space<vmem>>, vector<1x16xf32>,
      %mul3A_387 = arith.constant 8 : i32
      %mul3A_388 = arith.muli %scan3A_63, %mul3A_387 : i32
      %add3A_389 = arith.constant 4 : i32
      %add3A_390 = arith.addi %mul3A_388, %add3A_389 : i32
      %swap3A_391 = arith.index_cast %add3A_390 : i32 to index
      %swap3A_392 = arith.constant 64 : index
      %swap3A_393 = tpu.vector_load %arg9[%swap3A_391, %swap3A_392] {strides = array<i32>} : memref<512x128xf32, #tpu.memory_space<vmem>>, vector<1x16xf32>,
      %swap3A_394 = vector.shape_cast %swap3A_393 : vector<1x16xf32> to vector<16xf32>
      %swap3A_395 = vector.shape_cast %broadcast_in_dim3A_8 : vector<16xf32> to vector<1x16xf32>
      tpu.vector_store %arg9[%swap3A_391, %swap3A_392], %swap3A_395 {strides = array<i32>} : memref<512x128xf32, #tpu.memory_space<vmem>>, vector<1x16xf32>,
      %mul3A_396 = arith.constant 8 : i32
      %mul3A_397 = arith.muli %scan3A_63, %mul3A_396 : i32
      %add3A_398 = arith.constant 4 : i32
      %add3A_399 = arith.addi %mul3A_397, %add3A_398 : i32
      %swap3A_400 = arith.index_cast %add3A_399 : i32 to index
      %swap3A_401 = arith.constant 80 : index
      %swap3A_402 = tpu.vector_load %arg9[%swap3A_400, %swap3A_401] {strides = array<i32>} : memref<512x128xf32, #tpu.memory_space<vmem>>, vector<1x16xf32>,
      %swap3A_403 = vector.shape_cast %swap3A_402 : vector<1x16xf32> to vector<16xf32>
      %swap3A_404 = vector.shape_cast %broadcast_in_dim3A_8 : vector<16xf32> to vector<1x16xf32>
      tpu.vector_store %arg9[%swap3A_400, %swap3A_401], %swap3A_404 {strides = array<i32>} : memref<512x128xf32, #tpu.memory_space<vmem>>, vector<1x16xf32>,
      %mul3A_405 = arith.constant 8 : i32
      %mul3A_406 = arith.muli %scan3A_63, %mul3A_405 : i32
      %add3A_407 = arith.constant 4 : i32
      %add3A_408 = arith.addi %mul3A_406, %add3A_407 : i32
      %swap3A_409 = arith.index_cast %add3A_408 : i32 to index
      %swap3A_410 = arith.constant 96 : index
      %swap3A_411 = tpu.vector_load %arg9[%swap3A_409, %swap3A_410] {strides = array<i32>} : memref<512x128xf32, #tpu.memory_space<vmem>>, vector<1x16xf32>,
      %swap3A_412 = vector.shape_cast %swap3A_411 : vector<1x16xf32> to vector<16xf32>
      %swap3A_413 = vector.shape_cast %broadcast_in_dim3A_8 : vector<16xf32> to vector<1x16xf32>
      tpu.vector_store %arg9[%swap3A_409, %swap3A_410], %swap3A_413 {strides = array<i32>} : memref<512x128xf32, #tpu.memory_space<vmem>>, vector<1x16xf32>,
      %mul3A_414 = arith.constant 8 : i32
      %mul3A_415 = arith.muli %scan3A_63, %mul3A_414 : i32
      %add3A_416 = arith.constant 4 : i32
      %add3A_417 = arith.addi %mul3A_415, %add3A_416 : i32
      %swap3A_418 = arith.index_cast %add3A_417 : i32 to index
      %swap3A_419 = arith.constant 112 : index
      %swap3A_420 = tpu.vector_load %arg9[%swap3A_418, %swap3A_419] {strides = array<i32>} : memref<512x128xf32, #tpu.memory_space<vmem>>, vector<1x16xf32>,
      %swap3A_421 = vector.shape_cast %swap3A_420 : vector<1x16xf32> to vector<16xf32>
      %swap3A_422 = vector.shape_cast %broadcast_in_dim3A_8 : vector<16xf32> to vector<1x16xf32>
      tpu.vector_store %arg9[%swap3A_418, %swap3A_419], %swap3A_422 {strides = array<i32>} : memref<512x128xf32, #tpu.memory_space<vmem>>, vector<1x16xf32>,
      %mul3A_423 = arith.constant 8 : i32
      %mul3A_424 = arith.muli %scan3A_63, %mul3A_423 : i32
      %add3A_425 = arith.constant 5 : i32
      %add3A_426 = arith.addi %mul3A_424, %add3A_425 : i32
      %swap3A_427 = arith.index_cast %add3A_426 : i32 to index
      %swap3A_428 = arith.constant 0 : index
      %swap3A_429 = tpu.vector_load %arg9[%swap3A_427, %swap3A_428] {strides = array<i32>} : memref<512x128xf32, #tpu.memory_space<vmem>>, vector<1x16xf32>,
      %swap3A_430 = vector.shape_cast %swap3A_429 : vector<1x16xf32> to vector<16xf32>
      %swap3A_431 = vector.shape_cast %broadcast_in_dim3A_8 : vector<16xf32> to vector<1x16xf32>
      tpu.vector_store %arg9[%swap3A_427, %swap3A_428], %swap3A_431 {strides = array<i32>} : memref<512x128xf32, #tpu.memory_space<vmem>>, vector<1x16xf32>,
      %mul3A_432 = arith.constant 8 : i32
      %mul3A_433 = arith.muli %scan3A_63, %mul3A_432 : i32
      %add3A_434 = arith.constant 5 : i32
      %add3A_435 = arith.addi %mul3A_433, %add3A_434 : i32
      %swap3A_436 = arith.index_cast %add3A_435 : i32 to index
      %swap3A_437 = arith.constant 16 : index
      %swap3A_438 = tpu.vector_load %arg9[%swap3A_436, %swap3A_437] {strides = array<i32>} : memref<512x128xf32, #tpu.memory_space<vmem>>, vector<1x16xf32>,
      %swap3A_439 = vector.shape_cast %swap3A_438 : vector<1x16xf32> to vector<16xf32>
      %swap3A_440 = vector.shape_cast %broadcast_in_dim3A_8 : vector<16xf32> to vector<1x16xf32>
      tpu.vector_store %arg9[%swap3A_436, %swap3A_437], %swap3A_440 {strides = array<i32>} : memref<512x128xf32, #tpu.memory_space<vmem>>, vector<1x16xf32>,
      %mul3A_441 = arith.constant 8 : i32
      %mul3A_442 = arith.muli %scan3A_63, %mul3A_441 : i32
      %add3A_443 = arith.constant 5 : i32
      %add3A_444 = arith.addi %mul3A_442, %add3A_443 : i32
      %swap3A_445 = arith.index_cast %add3A_444 : i32 to index
      %swap3A_446 = arith.constant 32 : index
      %swap3A_447 = tpu.vector_load %arg9[%swap3A_445, %swap3A_446] {strides = array<i32>} : memref<512x128xf32, #tpu.memory_space<vmem>>, vector<1x16xf32>,
      %swap3A_448 = vector.shape_cast %swap3A_447 : vector<1x16xf32> to vector<16xf32>
      %swap3A_449 = vector.shape_cast %broadcast_in_dim3A_8 : vector<16xf32> to vector<1x16xf32>
      tpu.vector_store %arg9[%swap3A_445, %swap3A_446], %swap3A_449 {strides = array<i32>} : memref<512x128xf32, #tpu.memory_space<vmem>>, vector<1x16xf32>,
      %mul3A_450 = arith.constant 8 : i32
      %mul3A_451 = arith.muli %scan3A_63, %mul3A_450 : i32
      %add3A_452 = arith.constant 5 : i32
      %add3A_453 = arith.addi %mul3A_451, %add3A_452 : i32
      %swap3A_454 = arith.index_cast %add3A_453 : i32 to index
      %swap3A_455 = arith.constant 48 : index
      %swap3A_456 = tpu.vector_load %arg9[%swap3A_454, %swap3A_455] {strides = array<i32>} : memref<512x128xf32, #tpu.memory_space<vmem>>, vector<1x16xf32>,
      %swap3A_457 = vector.shape_cast %swap3A_456 : vector<1x16xf32> to vector<16xf32>
      %swap3A_458 = vector.shape_cast %broadcast_in_dim3A_8 : vector<16xf32> to vector<1x16xf32>
      tpu.vector_store %arg9[%swap3A_454, %swap3A_455], %swap3A_458 {strides = array<i32>} : memref<512x128xf32, #tpu.memory_space<vmem>>, vector<1x16xf32>,
      %mul3A_459 = arith.constant 8 : i32
      %mul3A_460 = arith.muli %scan3A_63, %mul3A_459 : i32
      %add3A_461 = arith.constant 5 : i32
      %add3A_462 = arith.addi %mul3A_460, %add3A_461 : i32
      %swap3A_463 = arith.index_cast %add3A_462 : i32 to index
      %swap3A_464 = arith.constant 64 : index
      %swap3A_465 = tpu.vector_load %arg9[%swap3A_463, %swap3A_464] {strides = array<i32>} : memref<512x128xf32, #tpu.memory_space<vmem>>, vector<1x16xf32>,
      %swap3A_466 = vector.shape_cast %swap3A_465 : vector<1x16xf32> to vector<16xf32>
      %swap3A_467 = vector.shape_cast %broadcast_in_dim3A_8 : vector<16xf32> to vector<1x16xf32>
      tpu.vector_store %arg9[%swap3A_463, %swap3A_464], %swap3A_467 {strides = array<i32>} : memref<512x128xf32, #tpu.memory_space<vmem>>, vector<1x16xf32>,
      %mul3A_468 = arith.constant 8 : i32
      %mul3A_469 = arith.muli %scan3A_63, %mul3A_468 : i32
      %add3A_470 = arith.constant 5 : i32
      %add3A_471 = arith.addi %mul3A_469, %add3A_470 : i32
      %swap3A_472 = arith.index_cast %add3A_471 : i32 to index
      %swap3A_473 = arith.constant 80 : index
      %swap3A_474 = tpu.vector_load %arg9[%swap3A_472, %swap3A_473] {strides = array<i32>} : memref<512x128xf32, #tpu.memory_space<vmem>>, vector<1x16xf32>,
      %swap3A_475 = vector.shape_cast %swap3A_474 : vector<1x16xf32> to vector<16xf32>
      %swap3A_476 = vector.shape_cast %broadcast_in_dim3A_8 : vector<16xf32> to vector<1x16xf32>
      tpu.vector_store %arg9[%swap3A_472, %swap3A_473], %swap3A_476 {strides = array<i32>} : memref<512x128xf32, #tpu.memory_space<vmem>>, vector<1x16xf32>,
      %mul3A_477 = arith.constant 8 : i32
      %mul3A_478 = arith.muli %scan3A_63, %mul3A_477 : i32
      %add3A_479 = arith.constant 5 : i32
      %add3A_480 = arith.addi %mul3A_478, %add3A_479 : i32
      %swap3A_481 = arith.index_cast %add3A_480 : i32 to index
      %swap3A_482 = arith.constant 96 : index
      %swap3A_483 = tpu.vector_load %arg9[%swap3A_481, %swap3A_482] {strides = array<i32>} : memref<512x128xf32, #tpu.memory_space<vmem>>, vector<1x16xf32>,
      %swap3A_484 = vector.shape_cast %swap3A_483 : vector<1x16xf32> to vector<16xf32>
      %swap3A_485 = vector.shape_cast %broadcast_in_dim3A_8 : vector<16xf32> to vector<1x16xf32>
      tpu.vector_store %arg9[%swap3A_481, %swap3A_482], %swap3A_485 {strides = array<i32>} : memref<512x128xf32, #tpu.memory_space<vmem>>, vector<1x16xf32>,
      %mul3A_486 = arith.constant 8 : i32
      %mul3A_487 = arith.muli %scan3A_63, %mul3A_486 : i32
      %add3A_488 = arith.constant 5 : i32
      %add3A_489 = arith.addi %mul3A_487, %add3A_488 : i32
      %swap3A_490 = arith.index_cast %add3A_489 : i32 to index
      %swap3A_491 = arith.constant 112 : index
      %swap3A_492 = tpu.vector_load %arg9[%swap3A_490, %swap3A_491] {strides = array<i32>} : memref<512x128xf32, #tpu.memory_space<vmem>>, vector<1x16xf32>,
      %swap3A_493 = vector.shape_cast %swap3A_492 : vector<1x16xf32> to vector<16xf32>
      %swap3A_494 = vector.shape_cast %broadcast_in_dim3A_8 : vector<16xf32> to vector<1x16xf32>
      tpu.vector_store %arg9[%swap3A_490, %swap3A_491], %swap3A_494 {strides = array<i32>} : memref<512x128xf32, #tpu.memory_space<vmem>>, vector<1x16xf32>,
      %mul3A_495 = arith.constant 8 : i32
      %mul3A_496 = arith.muli %scan3A_63, %mul3A_495 : i32
      %add3A_497 = arith.constant 6 : i32
      %add3A_498 = arith.addi %mul3A_496, %add3A_497 : i32
      %swap3A_499 = arith.index_cast %add3A_498 : i32 to index
      %swap3A_500 = arith.constant 0 : index
      %swap3A_501 = tpu.vector_load %arg9[%swap3A_499, %swap3A_500] {strides = array<i32>} : memref<512x128xf32, #tpu.memory_space<vmem>>, vector<1x16xf32>,
      %swap3A_502 = vector.shape_cast %swap3A_501 : vector<1x16xf32> to vector<16xf32>
      %swap3A_503 = vector.shape_cast %broadcast_in_dim3A_8 : vector<16xf32> to vector<1x16xf32>
      tpu.vector_store %arg9[%swap3A_499, %swap3A_500], %swap3A_503 {strides = array<i32>} : memref<512x128xf32, #tpu.memory_space<vmem>>, vector<1x16xf32>,
      %mul3A_504 = arith.constant 8 : i32
      %mul3A_505 = arith.muli %scan3A_63, %mul3A_504 : i32
      %add3A_506 = arith.constant 6 : i32
      %add3A_507 = arith.addi %mul3A_505, %add3A_506 : i32
      %swap3A_508 = arith.index_cast %add3A_507 : i32 to index
      %swap3A_509 = arith.constant 16 : index
      %swap3A_510 = tpu.vector_load %arg9[%swap3A_508, %swap3A_509] {strides = array<i32>} : memref<512x128xf32, #tpu.memory_space<vmem>>, vector<1x16xf32>,
      %swap3A_511 = vector.shape_cast %swap3A_510 : vector<1x16xf32> to vector<16xf32>
      %swap3A_512 = vector.shape_cast %broadcast_in_dim3A_8 : vector<16xf32> to vector<1x16xf32>
      tpu.vector_store %arg9[%swap3A_508, %swap3A_509], %swap3A_512 {strides = array<i32>} : memref<512x128xf32, #tpu.memory_space<vmem>>, vector<1x16xf32>,
      %mul3A_513 = arith.constant 8 : i32
      %mul3A_514 = arith.muli %scan3A_63, %mul3A_513 : i32
      %add3A_515 = arith.constant 6 : i32
      %add3A_516 = arith.addi %mul3A_514, %add3A_515 : i32
      %swap3A_517 = arith.index_cast %add3A_516 : i32 to index
      %swap3A_518 = arith.constant 32 : index
      %swap3A_519 = tpu.vector_load %arg9[%swap3A_517, %swap3A_518] {strides = array<i32>} : memref<512x128xf32, #tpu.memory_space<vmem>>, vector<1x16xf32>,
      %swap3A_520 = vector.shape_cast %swap3A_519 : vector<1x16xf32> to vector<16xf32>
      %swap3A_521 = vector.shape_cast %broadcast_in_dim3A_8 : vector<16xf32> to vector<1x16xf32>
      tpu.vector_store %arg9[%swap3A_517, %swap3A_518], %swap3A_521 {strides = array<i32>} : memref<512x128xf32, #tpu.memory_space<vmem>>, vector<1x16xf32>,
      %mul3A_522 = arith.constant 8 : i32
      %mul3A_523 = arith.muli %scan3A_63, %mul3A_522 : i32
      %add3A_524 = arith.constant 6 : i32
      %add3A_525 = arith.addi %mul3A_523, %add3A_524 : i32
      %swap3A_526 = arith.index_cast %add3A_525 : i32 to index
      %swap3A_527 = arith.constant 48 : index
      %swap3A_528 = tpu.vector_load %arg9[%swap3A_526, %swap3A_527] {strides = array<i32>} : memref<512x128xf32, #tpu.memory_space<vmem>>, vector<1x16xf32>,
      %swap3A_529 = vector.shape_cast %swap3A_528 : vector<1x16xf32> to vector<16xf32>
      %swap3A_530 = vector.shape_cast %broadcast_in_dim3A_8 : vector<16xf32> to vector<1x16xf32>
      tpu.vector_store %arg9[%swap3A_526, %swap3A_527], %swap3A_530 {strides = array<i32>} : memref<512x128xf32, #tpu.memory_space<vmem>>, vector<1x16xf32>,
      %mul3A_531 = arith.constant 8 : i32
      %mul3A_532 = arith.muli %scan3A_63, %mul3A_531 : i32
      %add3A_533 = arith.constant 6 : i32
      %add3A_534 = arith.addi %mul3A_532, %add3A_533 : i32
      %swap3A_535 = arith.index_cast %add3A_534 : i32 to index
      %swap3A_536 = arith.constant 64 : index
      %swap3A_537 = tpu.vector_load %arg9[%swap3A_535, %swap3A_536] {strides = array<i32>} : memref<512x128xf32, #tpu.memory_space<vmem>>, vector<1x16xf32>,
      %swap3A_538 = vector.shape_cast %swap3A_537 : vector<1x16xf32> to vector<16xf32>
      %swap3A_539 = vector.shape_cast %broadcast_in_dim3A_8 : vector<16xf32> to vector<1x16xf32>
      tpu.vector_store %arg9[%swap3A_535, %swap3A_536], %swap3A_539 {strides = array<i32>} : memref<512x128xf32, #tpu.memory_space<vmem>>, vector<1x16xf32>,
      %mul3A_540 = arith.constant 8 : i32
      %mul3A_541 = arith.muli %scan3A_63, %mul3A_540 : i32
      %add3A_542 = arith.constant 6 : i32
      %add3A_543 = arith.addi %mul3A_541, %add3A_542 : i32
      %swap3A_544 = arith.index_cast %add3A_543 : i32 to index
      %swap3A_545 = arith.constant 80 : index
      %swap3A_546 = tpu.vector_load %arg9[%swap3A_544, %swap3A_545] {strides = array<i32>} : memref<512x128xf32, #tpu.memory_space<vmem>>, vector<1x16xf32>,
      %swap3A_547 = vector.shape_cast %swap3A_546 : vector<1x16xf32> to vector<16xf32>
      %swap3A_548 = vector.shape_cast %broadcast_in_dim3A_8 : vector<16xf32> to vector<1x16xf32>
      tpu.vector_store %arg9[%swap3A_544, %swap3A_545], %swap3A_548 {strides = array<i32>} : memref<512x128xf32, #tpu.memory_space<vmem>>, vector<1x16xf32>,
      %mul3A_549 = arith.constant 8 : i32
      %mul3A_550 = arith.muli %scan3A_63, %mul3A_549 : i32
      %add3A_551 = arith.constant 6 : i32
      %add3A_552 = arith.addi %mul3A_550, %add3A_551 : i32
      %swap3A_553 = arith.index_cast %add3A_552 : i32 to index
      %swap3A_554 = arith.constant 96 : index
      %swap3A_555 = tpu.vector_load %arg9[%swap3A_553, %swap3A_554] {strides = array<i32>} : memref<512x128xf32, #tpu.memory_space<vmem>>, vector<1x16xf32>,
      %swap3A_556 = vector.shape_cast %swap3A_555 : vector<1x16xf32> to vector<16xf32>
      %swap3A_557 = vector.shape_cast %broadcast_in_dim3A_8 : vector<16xf32> to vector<1x16xf32>
      tpu.vector_store %arg9[%swap3A_553, %swap3A_554], %swap3A_557 {strides = array<i32>} : memref<512x128xf32, #tpu.memory_space<vmem>>, vector<1x16xf32>,
      %mul3A_558 = arith.constant 8 : i32
      %mul3A_559 = arith.muli %scan3A_63, %mul3A_558 : i32
      %add3A_560 = arith.constant 6 : i32
      %add3A_561 = arith.addi %mul3A_559, %add3A_560 : i32
      %swap3A_562 = arith.index_cast %add3A_561 : i32 to index
      %swap3A_563 = arith.constant 112 : index
      %swap3A_564 = tpu.vector_load %arg9[%swap3A_562, %swap3A_563] {strides = array<i32>} : memref<512x128xf32, #tpu.memory_space<vmem>>, vector<1x16xf32>,
      %swap3A_565 = vector.shape_cast %swap3A_564 : vector<1x16xf32> to vector<16xf32>
      %swap3A_566 = vector.shape_cast %broadcast_in_dim3A_8 : vector<16xf32> to vector<1x16xf32>
      tpu.vector_store %arg9[%swap3A_562, %swap3A_563], %swap3A_566 {strides = array<i32>} : memref<512x128xf32, #tpu.memory_space<vmem>>, vector<1x16xf32>,
      %mul3A_567 = arith.constant 8 : i32
      %mul3A_568 = arith.muli %scan3A_63, %mul3A_567 : i32
      %add3A_569 = arith.constant 7 : i32
      %add3A_570 = arith.addi %mul3A_568, %add3A_569 : i32
      %swap3A_571 = arith.index_cast %add3A_570 : i32 to index
      %swap3A_572 = arith.constant 0 : index
      %swap3A_573 = tpu.vector_load %arg9[%swap3A_571, %swap3A_572] {strides = array<i32>} : memref<512x128xf32, #tpu.memory_space<vmem>>, vector<1x16xf32>,
      %swap3A_574 = vector.shape_cast %swap3A_573 : vector<1x16xf32> to vector<16xf32>
      %swap3A_575 = vector.shape_cast %broadcast_in_dim3A_8 : vector<16xf32> to vector<1x16xf32>
      tpu.vector_store %arg9[%swap3A_571, %swap3A_572], %swap3A_575 {strides = array<i32>} : memref<512x128xf32, #tpu.memory_space<vmem>>, vector<1x16xf32>,
      %mul3A_576 = arith.constant 8 : i32
      %mul3A_577 = arith.muli %scan3A_63, %mul3A_576 : i32
      %add3A_578 = arith.constant 7 : i32
      %add3A_579 = arith.addi %mul3A_577, %add3A_578 : i32
      %swap3A_580 = arith.index_cast %add3A_579 : i32 to index
      %swap3A_581 = arith.constant 16 : index
      %swap3A_582 = tpu.vector_load %arg9[%swap3A_580, %swap3A_581] {strides = array<i32>} : memref<512x128xf32, #tpu.memory_space<vmem>>, vector<1x16xf32>,
      %swap3A_583 = vector.shape_cast %swap3A_582 : vector<1x16xf32> to vector<16xf32>
      %swap3A_584 = vector.shape_cast %broadcast_in_dim3A_8 : vector<16xf32> to vector<1x16xf32>
      tpu.vector_store %arg9[%swap3A_580, %swap3A_581], %swap3A_584 {strides = array<i32>} : memref<512x128xf32, #tpu.memory_space<vmem>>, vector<1x16xf32>,
      %mul3A_585 = arith.constant 8 : i32
      %mul3A_586 = arith.muli %scan3A_63, %mul3A_585 : i32
      %add3A_587 = arith.constant 7 : i32
      %add3A_588 = arith.addi %mul3A_586, %add3A_587 : i32
      %swap3A_589 = arith.index_cast %add3A_588 : i32 to index
      %swap3A_590 = arith.constant 32 : index
      %swap3A_591 = tpu.vector_load %arg9[%swap3A_589, %swap3A_590] {strides = array<i32>} : memref<512x128xf32, #tpu.memory_space<vmem>>, vector<1x16xf32>,
      %swap3A_592 = vector.shape_cast %swap3A_591 : vector<1x16xf32> to vector<16xf32>
      %swap3A_593 = vector.shape_cast %broadcast_in_dim3A_8 : vector<16xf32> to vector<1x16xf32>
      tpu.vector_store %arg9[%swap3A_589, %swap3A_590], %swap3A_593 {strides = array<i32>} : memref<512x128xf32, #tpu.memory_space<vmem>>, vector<1x16xf32>,
      %mul3A_594 = arith.constant 8 : i32
      %mul3A_595 = arith.muli %scan3A_63, %mul3A_594 : i32
      %add3A_596 = arith.constant 7 : i32
      %add3A_597 = arith.addi %mul3A_595, %add3A_596 : i32
      %swap3A_598 = arith.index_cast %add3A_597 : i32 to index
      %swap3A_599 = arith.constant 48 : index
      %swap3A_600 = tpu.vector_load %arg9[%swap3A_598, %swap3A_599] {strides = array<i32>} : memref<512x128xf32, #tpu.memory_space<vmem>>, vector<1x16xf32>,
      %swap3A_601 = vector.shape_cast %swap3A_600 : vector<1x16xf32> to vector<16xf32>
      %swap3A_602 = vector.shape_cast %broadcast_in_dim3A_8 : vector<16xf32> to vector<1x16xf32>
      tpu.vector_store %arg9[%swap3A_598, %swap3A_599], %swap3A_602 {strides = array<i32>} : memref<512x128xf32, #tpu.memory_space<vmem>>, vector<1x16xf32>,
      %mul3A_603 = arith.constant 8 : i32
      %mul3A_604 = arith.muli %scan3A_63, %mul3A_603 : i32
      %add3A_605 = arith.constant 7 : i32
      %add3A_606 = arith.addi %mul3A_604, %add3A_605 : i32
      %swap3A_607 = arith.index_cast %add3A_606 : i32 to index
      %swap3A_608 = arith.constant 64 : index
      %swap3A_609 = tpu.vector_load %arg9[%swap3A_607, %swap3A_608] {strides = array<i32>} : memref<512x128xf32, #tpu.memory_space<vmem>>, vector<1x16xf32>,
      %swap3A_610 = vector.shape_cast %swap3A_609 : vector<1x16xf32> to vector<16xf32>
      %swap3A_611 = vector.shape_cast %broadcast_in_dim3A_8 : vector<16xf32> to vector<1x16xf32>
      tpu.vector_store %arg9[%swap3A_607, %swap3A_608], %swap3A_611 {strides = array<i32>} : memref<512x128xf32, #tpu.memory_space<vmem>>, vector<1x16xf32>,
      %mul3A_612 = arith.constant 8 : i32
      %mul3A_613 = arith.muli %scan3A_63, %mul3A_612 : i32
      %add3A_614 = arith.constant 7 : i32
      %add3A_615 = arith.addi %mul3A_613, %add3A_614 : i32
      %swap3A_616 = arith.index_cast %add3A_615 : i32 to index
      %swap3A_617 = arith.constant 80 : index
      %swap3A_618 = tpu.vector_load %arg9[%swap3A_616, %swap3A_617] {strides = array<i32>} : memref<512x128xf32, #tpu.memory_space<vmem>>, vector<1x16xf32>,
      %swap3A_619 = vector.shape_cast %swap3A_618 : vector<1x16xf32> to vector<16xf32>
      %swap3A_620 = vector.shape_cast %broadcast_in_dim3A_8 : vector<16xf32> to vector<1x16xf32>
      tpu.vector_store %arg9[%swap3A_616, %swap3A_617], %swap3A_620 {strides = array<i32>} : memref<512x128xf32, #tpu.memory_space<vmem>>, vector<1x16xf32>,
      %mul3A_621 = arith.constant 8 : i32
      %mul3A_622 = arith.muli %scan3A_63, %mul3A_621 : i32
      %add3A_623 = arith.constant 7 : i32
      %add3A_624 = arith.addi %mul3A_622, %add3A_623 : i32
      %swap3A_625 = arith.index_cast %add3A_624 : i32 to index
      %swap3A_626 = arith.constant 96 : index
      %swap3A_627 = tpu.vector_load %arg9[%swap3A_625, %swap3A_626] {strides = array<i32>} : memref<512x128xf32, #tpu.memory_space<vmem>>, vector<1x16xf32>,
      %swap3A_628 = vector.shape_cast %swap3A_627 : vector<1x16xf32> to vector<16xf32>
      %swap3A_629 = vector.shape_cast %broadcast_in_dim3A_8 : vector<16xf32> to vector<1x16xf32>
      tpu.vector_store %arg9[%swap3A_625, %swap3A_626], %swap3A_629 {strides = array<i32>} : memref<512x128xf32, #tpu.memory_space<vmem>>, vector<1x16xf32>,
      %mul3A_630 = arith.constant 8 : i32
      %mul3A_631 = arith.muli %scan3A_63, %mul3A_630 : i32
      %add3A_632 = arith.constant 7 : i32
      %add3A_633 = arith.addi %mul3A_631, %add3A_632 : i32
      %swap3A_634 = arith.index_cast %add3A_633 : i32 to index
      %swap3A_635 = arith.constant 112 : index
      %swap3A_636 = tpu.vector_load %arg9[%swap3A_634, %swap3A_635] {strides = array<i32>} : memref<512x128xf32, #tpu.memory_space<vmem>>, vector<1x16xf32>,
      %swap3A_637 = vector.shape_cast %swap3A_636 : vector<1x16xf32> to vector<16xf32>
      %swap3A_638 = vector.shape_cast %broadcast_in_dim3A_8 : vector<16xf32> to vector<1x16xf32>
      tpu.vector_store %arg9[%swap3A_634, %swap3A_635], %swap3A_638 {strides = array<i32>} : memref<512x128xf32, #tpu.memory_space<vmem>>, vector<1x16xf32>,
    }
    %scan3A_13 = arith.constant 64 : i32
    %dma_wait3A = tpu.memref_slice %arg4[%mul3A_2] : memref<16384xi32, #tpu.memory_space<hbm>> -> memref<512xi32, #tpu.memory_space<hbm>>
    %dma_wait3A_14 = tpu.memref_slice %arg4[%mul3A_2] : memref<16384xi32, #tpu.memory_space<hbm>> -> memref<512xi32, #tpu.memory_space<hbm>>
    tpu.wait_dma2 semaphore(%arg10 : memref<!tpu.dma_semaphore, #tpu.memory_space<semaphore_mem>>) src(%dma_wait3A_14 : memref<512xi32, #tpu.memory_space<hbm>>) dst(%arg7 : memref<512xi32, #tpu.memory_space<vmem>>)
    %dma_wait3A_15 = arith.constant 0 : i32
    %dma_wait3A_16 = tpu.memref_slice %arg5[%dma_wait3A_15, %mul3A_2] : memref<32x16384xi32, #tpu.memory_space<hbm>> -> memref<32x512xi32, #tpu.memory_space<hbm>>
    %dma_wait3A_17 = arith.constant 0 : i32
    %dma_wait3A_18 = tpu.memref_slice %arg5[%dma_wait3A_17, %mul3A_2] : memref<32x16384xi32, #tpu.memory_space<hbm>> -> memref<32x512xi32, #tpu.memory_space<hbm>>
    tpu.wait_dma2 semaphore(%arg10 : memref<!tpu.dma_semaphore, #tpu.memory_space<semaphore_mem>>) src(%dma_wait3A_18 : memref<32x512xi32, #tpu.memory_space<hbm>>) dst(%arg8 : memref<32x512xi32, #tpu.memory_space<vmem>>)
    %dma_start3A_19 = arith.constant 0 : i32
    %dma_start3A_20 = arith.constant 0 : i32
    %dma_start3A_21 = tpu.memref_slice %arg9[%dma_start3A_19, %dma_start3A_20] : memref<512x128xf32, #tpu.memory_space<vmem>> -> memref<128x128xf32, #tpu.memory_space<vmem>>
    %dma_start3A_22 = arith.constant 0 : i32
    %dma_start3A_23 = tpu.memref_slice %arg7[%dma_start3A_22] : memref<512xi32, #tpu.memory_space<vmem>> -> memref<128xi32, #tpu.memory_space<vmem>>
    %dma_start3A_24 = arith.constant 0 : i32
    %dma_start3A_25 = arith.constant 0 : i32
    %dma_start3A_26 = tpu.memref_slice %arg2[%dma_start3A_24, %dma_start3A_25] : memref<50000x128xf32, #tpu.memory_space<hbm>> -> memref<50000x128xf32, #tpu.memory_space<hbm>>
    tpu.enqueue_indirect_dma source(%dma_start3A_26 : memref<50000x128xf32, #tpu.memory_space<hbm>>) target(%dma_start3A_21 : memref<128x128xf32, #tpu.memory_space<vmem>>) offsets(%dma_start3A_23 : memref<128xi32, #tpu.memory_space<vmem>>) semaphore(%arg10 : memref<!tpu.dma_semaphore, #tpu.memory_space<semaphore_mem>>) {add = true}
    %dma_start3A_27 = arith.constant 128 : i32
    %dma_start3A_28 = arith.constant 0 : i32
    %dma_start3A_29 = tpu.memref_slice %arg9[%dma_start3A_27, %dma_start3A_28] : memref<512x128xf32, #tpu.memory_space<vmem>> -> memref<128x128xf32, #tpu.memory_space<vmem>>
    %dma_start3A_30 = arith.constant 128 : i32
    %dma_start3A_31 = tpu.memref_slice %arg7[%dma_start3A_30] : memref<512xi32, #tpu.memory_space<vmem>> -> memref<128xi32, #tpu.memory_space<vmem>>
    %dma_start3A_32 = arith.constant 0 : i32
    %dma_start3A_33 = arith.constant 0 : i32
    %dma_start3A_34 = tpu.memref_slice %arg2[%dma_start3A_32, %dma_start3A_33] : memref<50000x128xf32, #tpu.memory_space<hbm>> -> memref<50000x128xf32, #tpu.memory_space<hbm>>
    tpu.enqueue_indirect_dma source(%dma_start3A_34 : memref<50000x128xf32, #tpu.memory_space<hbm>>) target(%dma_start3A_29 : memref<128x128xf32, #tpu.memory_space<vmem>>) offsets(%dma_start3A_31 : memref<128xi32, #tpu.memory_space<vmem>>) semaphore(%arg10 : memref<!tpu.dma_semaphore, #tpu.memory_space<semaphore_mem>>) {add = true}
    %dma_start3A_35 = arith.constant 256 : i32
    %dma_start3A_36 = arith.constant 0 : i32
    %dma_start3A_37 = tpu.memref_slice %arg9[%dma_start3A_35, %dma_start3A_36] : memref<512x128xf32, #tpu.memory_space<vmem>> -> memref<128x128xf32, #tpu.memory_space<vmem>>
    %dma_start3A_38 = arith.constant 256 : i32
    %dma_start3A_39 = tpu.memref_slice %arg7[%dma_start3A_38] : memref<512xi32, #tpu.memory_space<vmem>> -> memref<128xi32, #tpu.memory_space<vmem>>
    %dma_start3A_40 = arith.constant 0 : i32
    %dma_start3A_41 = arith.constant 0 : i32
    %dma_start3A_42 = tpu.memref_slice %arg2[%dma_start3A_40, %dma_start3A_41] : memref<50000x128xf32, #tpu.memory_space<hbm>> -> memref<50000x128xf32, #tpu.memory_space<hbm>>
    tpu.enqueue_indirect_dma source(%dma_start3A_42 : memref<50000x128xf32, #tpu.memory_space<hbm>>) target(%dma_start3A_37 : memref<128x128xf32, #tpu.memory_space<vmem>>) offsets(%dma_start3A_39 : memref<128xi32, #tpu.memory_space<vmem>>) semaphore(%arg10 : memref<!tpu.dma_semaphore, #tpu.memory_space<semaphore_mem>>) {add = true}
    %dma_start3A_43 = arith.constant 384 : i32
    %dma_start3A_44 = arith.constant 0 : i32
    %dma_start3A_45 = tpu.memref_slice %arg9[%dma_start3A_43, %dma_start3A_44] : memref<512x128xf32, #tpu.memory_space<vmem>> -> memref<128x128xf32, #tpu.memory_space<vmem>>
    %dma_start3A_46 = arith.constant 384 : i32
    %dma_start3A_47 = tpu.memref_slice %arg7[%dma_start3A_46] : memref<512xi32, #tpu.memory_space<vmem>> -> memref<128xi32, #tpu.memory_space<vmem>>
    %dma_start3A_48 = arith.constant 0 : i32
    %dma_start3A_49 = arith.constant 0 : i32
    %dma_start3A_50 = tpu.memref_slice %arg2[%dma_start3A_48, %dma_start3A_49] : memref<50000x128xf32, #tpu.memory_space<hbm>> -> memref<50000x128xf32, #tpu.memory_space<hbm>>
    tpu.enqueue_indirect_dma source(%dma_start3A_50 : memref<50000x128xf32, #tpu.memory_space<hbm>>) target(%dma_start3A_45 : memref<128x128xf32, #tpu.memory_space<vmem>>) offsets(%dma_start3A_47 : memref<128xi32, #tpu.memory_space<vmem>>) semaphore(%arg10 : memref<!tpu.dma_semaphore, #tpu.memory_space<semaphore_mem>>) {add = true}
    %scan3A_51 = arith.constant 0 : i32
    %scan3A_52 = arith.constant 0 : i32
    %scan3A_53 = arith.constant 32 : i32
    %scan3A_54 = arith.addi %scan3A_52, %scan3A_53 : i32
    %scan3A_55 = arith.constant 1 : i32
    scf.for %scan3A_63 = %scan3A_52 to %scan3A_54 step %scan3A_55  : i32 {
      %dma_start3A_64 = arith.constant 0 : i32
      %dma_start3A_65 = arith.constant 0 : i32
      %dma_start3A_66 = tpu.memref_slice %arg9[%dma_start3A_64, %dma_start3A_65] : memref<512x128xf32, #tpu.memory_space<vmem>> -> memref<128x128xf32, #tpu.memory_space<vmem>>
      %dma_start3A_67 = arith.constant 0 : i32
      %dma_start3A_68 = tpu.memref_slice %arg8[%scan3A_63, %dma_start3A_67] : memref<32x512xi32, #tpu.memory_space<vmem>> -> memref<1x128xi32, #tpu.memory_space<vmem>>
      %dma_start3A_69 = tpu.memref_squeeze %dma_start3A_68 : memref<1x128xi32, #tpu.memory_space<vmem>> -> memref<128xi32, #tpu.memory_space<vmem>>
      %dma_start3A_70 = arith.constant 0 : i32
      %dma_start3A_71 = arith.constant 0 : i32
      %dma_start3A_72 = tpu.memref_slice %arg3[%dma_start3A_70, %dma_start3A_71] : memref<50000x128xf32, #tpu.memory_space<hbm>> -> memref<50000x128xf32, #tpu.memory_space<hbm>>
      tpu.enqueue_indirect_dma source(%dma_start3A_72 : memref<50000x128xf32, #tpu.memory_space<hbm>>) target(%dma_start3A_66 : memref<128x128xf32, #tpu.memory_space<vmem>>) offsets(%dma_start3A_69 : memref<128xi32, #tpu.memory_space<vmem>>) semaphore(%arg10 : memref<!tpu.dma_semaphore, #tpu.memory_space<semaphore_mem>>) {add = true}
      %dma_start3A_73 = arith.constant 128 : i32
      %dma_start3A_74 = arith.constant 0 : i32
      %dma_start3A_75 = tpu.memref_slice %arg9[%dma_start3A_73, %dma_start3A_74] : memref<512x128xf32, #tpu.memory_space<vmem>> -> memref<128x128xf32, #tpu.memory_space<vmem>>
      %dma_start3A_76 = arith.constant 128 : i32
      %dma_start3A_77 = tpu.memref_slice %arg8[%scan3A_63, %dma_start3A_76] : memref<32x512xi32, #tpu.memory_space<vmem>> -> memref<1x128xi32, #tpu.memory_space<vmem>>
      %dma_start3A_78 = tpu.memref_squeeze %dma_start3A_77 : memref<1x128xi32, #tpu.memory_space<vmem>> -> memref<128xi32, #tpu.memory_space<vmem>>
      %dma_start3A_79 = arith.constant 0 : i32
      %dma_start3A_80 = arith.constant 0 : i32
      %dma_start3A_81 = tpu.memref_slice %arg3[%dma_start3A_79, %dma_start3A_80] : memref<50000x128xf32, #tpu.memory_space<hbm>> -> memref<50000x128xf32, #tpu.memory_space<hbm>>
      tpu.enqueue_indirect_dma source(%dma_start3A_81 : memref<50000x128xf32, #tpu.memory_space<hbm>>) target(%dma_start3A_75 : memref<128x128xf32, #tpu.memory_space<vmem>>) offsets(%dma_start3A_78 : memref<128xi32, #tpu.memory_space<vmem>>) semaphore(%arg10 : memref<!tpu.dma_semaphore, #tpu.memory_space<semaphore_mem>>) {add = true}
      %dma_start3A_82 = arith.constant 256 : i32
      %dma_start3A_83 = arith.constant 0 : i32
      %dma_start3A_84 = tpu.memref_slice %arg9[%dma_start3A_82, %dma_start3A_83] : memref<512x128xf32, #tpu.memory_space<vmem>> -> memref<128x128xf32, #tpu.memory_space<vmem>>
      %dma_start3A_85 = arith.constant 256 : i32
      %dma_start3A_86 = tpu.memref_slice %arg8[%scan3A_63, %dma_start3A_85] : memref<32x512xi32, #tpu.memory_space<vmem>> -> memref<1x128xi32, #tpu.memory_space<vmem>>
      %dma_start3A_87 = tpu.memref_squeeze %dma_start3A_86 : memref<1x128xi32, #tpu.memory_space<vmem>> -> memref<128xi32, #tpu.memory_space<vmem>>
      %dma_start3A_88 = arith.constant 0 : i32
      %dma_start3A_89 = arith.constant 0 : i32
      %dma_start3A_90 = tpu.memref_slice %arg3[%dma_start3A_88, %dma_start3A_89] : memref<50000x128xf32, #tpu.memory_space<hbm>> -> memref<50000x128xf32, #tpu.memory_space<hbm>>
      tpu.enqueue_indirect_dma source(%dma_start3A_90 : memref<50000x128xf32, #tpu.memory_space<hbm>>) target(%dma_start3A_84 : memref<128x128xf32, #tpu.memory_space<vmem>>) offsets(%dma_start3A_87 : memref<128xi32, #tpu.memory_space<vmem>>) semaphore(%arg10 : memref<!tpu.dma_semaphore, #tpu.memory_space<semaphore_mem>>) {add = true}
      %dma_start3A_91 = arith.constant 384 : i32
      %dma_start3A_92 = arith.constant 0 : i32
      %dma_start3A_93 = tpu.memref_slice %arg9[%dma_start3A_91, %dma_start3A_92] : memref<512x128xf32, #tpu.memory_space<vmem>> -> memref<128x128xf32, #tpu.memory_space<vmem>>
      %dma_start3A_94 = arith.constant 384 : i32
      %dma_start3A_95 = tpu.memref_slice %arg8[%scan3A_63, %dma_start3A_94] : memref<32x512xi32, #tpu.memory_space<vmem>> -> memref<1x128xi32, #tpu.memory_space<vmem>>
      %dma_start3A_96 = tpu.memref_squeeze %dma_start3A_95 : memref<1x128xi32, #tpu.memory_space<vmem>> -> memref<128xi32, #tpu.memory_space<vmem>>
      %dma_start3A_97 = arith.constant 0 : i32
      %dma_start3A_98 = arith.constant 0 : i32
      %dma_start3A_99 = tpu.memref_slice %arg3[%dma_start3A_97, %dma_start3A_98] : memref<50000x128xf32, #tpu.memory_space<hbm>> -> memref<50000x128xf32, #tpu.memory_space<hbm>>
      tpu.enqueue_indirect_dma source(%dma_start3A_99 : memref<50000x128xf32, #tpu.memory_space<hbm>>) target(%dma_start3A_93 : memref<128x128xf32, #tpu.memory_space<vmem>>) offsets(%dma_start3A_96 : memref<128xi32, #tpu.memory_space<vmem>>) semaphore(%arg10 : memref<!tpu.dma_semaphore, #tpu.memory_space<semaphore_mem>>) {add = true}
    }
    %scan3A_56 = arith.constant 32 : i32
    %scan3A_57 = arith.constant 0 : i32
    %scan3A_58 = arith.constant 0 : i32
    %scan3A_59 = arith.constant 33 : i32
    %scan3A_60 = arith.addi %scan3A_58, %scan3A_59 : i32
    %scan3A_61 = arith.constant 1 : i32
    scf.for %scan3A_63 = %scan3A_58 to %scan3A_60 step %scan3A_61  : i32 {
      %dma_wait3A_64 = arith.constant 0 : i32
      %dma_wait3A_65 = arith.constant 0 : i32
      %dma_wait3A_66 = arith.constant 0 : i32
      %dma_wait3A_67 = tpu.memref_slice %arg9[%dma_wait3A_65, %dma_wait3A_66] : memref<512x128xf32, #tpu.memory_space<vmem>> -> memref<128x128xf32, #tpu.memory_space<vmem>>
      %dma_wait3A_68 = arith.constant 0 : i32
      %dma_wait3A_69 = tpu.memref_slice %arg8[%dma_wait3A_64, %dma_wait3A_68] : memref<32x512xi32, #tpu.memory_space<vmem>> -> memref<1x128xi32, #tpu.memory_space<vmem>>
      %dma_wait3A_70 = tpu.memref_squeeze %dma_wait3A_69 : memref<1x128xi32, #tpu.memory_space<vmem>> -> memref<128xi32, #tpu.memory_space<vmem>>
      %dma_wait3A_71 = arith.constant 0 : i32
      %dma_wait3A_72 = arith.constant 0 : i32
      %dma_wait3A_73 = tpu.memref_slice %arg3[%dma_wait3A_71, %dma_wait3A_72] : memref<50000x128xf32, #tpu.memory_space<hbm>> -> memref<50000x128xf32, #tpu.memory_space<hbm>>
      tpu.wait_indirect_dma semaphore(%arg10 : memref<!tpu.dma_semaphore, #tpu.memory_space<semaphore_mem>>) src(%dma_wait3A_73 : memref<50000x128xf32, #tpu.memory_space<hbm>>) dst(%dma_wait3A_67 : memref<128x128xf32, #tpu.memory_space<vmem>>)
      %dma_wait3A_74 = arith.constant 0 : i32
      %dma_wait3A_75 = arith.constant 128 : i32
      %dma_wait3A_76 = arith.constant 0 : i32
      %dma_wait3A_77 = tpu.memref_slice %arg9[%dma_wait3A_75, %dma_wait3A_76] : memref<512x128xf32, #tpu.memory_space<vmem>> -> memref<128x128xf32, #tpu.memory_space<vmem>>
      %dma_wait3A_78 = arith.constant 128 : i32
      %dma_wait3A_79 = tpu.memref_slice %arg8[%dma_wait3A_74, %dma_wait3A_78] : memref<32x512xi32, #tpu.memory_space<vmem>> -> memref<1x128xi32, #tpu.memory_space<vmem>>
      %dma_wait3A_80 = tpu.memref_squeeze %dma_wait3A_79 : memref<1x128xi32, #tpu.memory_space<vmem>> -> memref<128xi32, #tpu.memory_space<vmem>>
      %dma_wait3A_81 = arith.constant 0 : i32
      %dma_wait3A_82 = arith.constant 0 : i32
      %dma_wait3A_83 = tpu.memref_slice %arg3[%dma_wait3A_81, %dma_wait3A_82] : memref<50000x128xf32, #tpu.memory_space<hbm>> -> memref<50000x128xf32, #tpu.memory_space<hbm>>
      tpu.wait_indirect_dma semaphore(%arg10 : memref<!tpu.dma_semaphore, #tpu.memory_space<semaphore_mem>>) src(%dma_wait3A_83 : memref<50000x128xf32, #tpu.memory_space<hbm>>) dst(%dma_wait3A_77 : memref<128x128xf32, #tpu.memory_space<vmem>>)
      %dma_wait3A_84 = arith.constant 0 : i32
      %dma_wait3A_85 = arith.constant 256 : i32
      %dma_wait3A_86 = arith.constant 0 : i32
      %dma_wait3A_87 = tpu.memref_slice %arg9[%dma_wait3A_85, %dma_wait3A_86] : memref<512x128xf32, #tpu.memory_space<vmem>> -> memref<128x128xf32, #tpu.memory_space<vmem>>
      %dma_wait3A_88 = arith.constant 256 : i32
      %dma_wait3A_89 = tpu.memref_slice %arg8[%dma_wait3A_84, %dma_wait3A_88] : memref<32x512xi32, #tpu.memory_space<vmem>> -> memref<1x128xi32, #tpu.memory_space<vmem>>
      %dma_wait3A_90 = tpu.memref_squeeze %dma_wait3A_89 : memref<1x128xi32, #tpu.memory_space<vmem>> -> memref<128xi32, #tpu.memory_space<vmem>>
      %dma_wait3A_91 = arith.constant 0 : i32
      %dma_wait3A_92 = arith.constant 0 : i32
      %dma_wait3A_93 = tpu.memref_slice %arg3[%dma_wait3A_91, %dma_wait3A_92] : memref<50000x128xf32, #tpu.memory_space<hbm>> -> memref<50000x128xf32, #tpu.memory_space<hbm>>
      tpu.wait_indirect_dma semaphore(%arg10 : memref<!tpu.dma_semaphore, #tpu.memory_space<semaphore_mem>>) src(%dma_wait3A_93 : memref<50000x128xf32, #tpu.memory_space<hbm>>) dst(%dma_wait3A_87 : memref<128x128xf32, #tpu.memory_space<vmem>>)
      %dma_wait3A_94 = arith.constant 0 : i32
      %dma_wait3A_95 = arith.constant 384 : i32
      %dma_wait3A_96 = arith.constant 0 : i32
      %dma_wait3A_97 = tpu.memref_slice %arg9[%dma_wait3A_95, %dma_wait3A_96] : memref<512x128xf32, #tpu.memory_space<vmem>> -> memref<128x128xf32, #tpu.memory_space<vmem>>
      %dma_wait3A_98 = arith.constant 384 : i32
      %dma_wait3A_99 = tpu.memref_slice %arg8[%dma_wait3A_94, %dma_wait3A_98] : memref<32x512xi32, #tpu.memory_space<vmem>> -> memref<1x128xi32, #tpu.memory_space<vmem>>
      %dma_wait3A_100 = tpu.memref_squeeze %dma_wait3A_99 : memref<1x128xi32, #tpu.memory_space<vmem>> -> memref<128xi32, #tpu.memory_space<vmem>>
      %dma_wait3A_101 = arith.constant 0 : i32
      %dma_wait3A_102 = arith.constant 0 : i32
      %dma_wait3A_103 = tpu.memref_slice %arg3[%dma_wait3A_101, %dma_wait3A_102] : memref<50000x128xf32, #tpu.memory_space<hbm>> -> memref<50000x128xf32, #tpu.memory_space<hbm>>
      tpu.wait_indirect_dma semaphore(%arg10 : memref<!tpu.dma_semaphore, #tpu.memory_space<semaphore_mem>>) src(%dma_wait3A_103 : memref<50000x128xf32, #tpu.memory_space<hbm>>) dst(%dma_wait3A_97 : memref<128x128xf32, #tpu.memory_space<vmem>>)
    }
    %scan3A_62 = arith.constant 33 : i32
    "tpu.region"() ({
      %run_scoped3A = tpu.sem_alloc : memref<!tpu.dma_semaphore, #tpu.memory_space<semaphore_mem>>
      %dma_start3A_63 = arith.constant 0 : i32
      %dma_start3A_64 = tpu.memref_slice %arg6[%mul3A_2, %dma_start3A_63] : memref<16384x128xf32, #tpu.memory_space<hbm>> -> memref<512x128xf32, #tpu.memory_space<hbm>>
      %dma_start3A_65 = arith.constant 0 : i32
      %dma_start3A_66 = tpu.memref_slice %arg6[%mul3A_2, %dma_start3A_65] : memref<16384x128xf32, #tpu.memory_space<hbm>> -> memref<512x128xf32, #tpu.memory_space<hbm>>
      tpu.enqueue_dma source(%arg9 : memref<512x128xf32, #tpu.memory_space<vmem>>) target(%dma_start3A_66 : memref<512x128xf32, #tpu.memory_space<hbm>>) target_semaphore(%run_scoped3A : memref<!tpu.dma_semaphore, #tpu.memory_space<semaphore_mem>>)
      %dma_wait3A_67 = arith.constant 0 : i32
      %dma_wait3A_68 = tpu.memref_slice %arg6[%mul3A_2, %dma_wait3A_67] : memref<16384x128xf32, #tpu.memory_space<hbm>> -> memref<512x128xf32, #tpu.memory_space<hbm>>
      %dma_wait3A_69 = arith.constant 0 : i32
      %dma_wait3A_70 = tpu.memref_slice %arg6[%mul3A_2, %dma_wait3A_69] : memref<16384x128xf32, #tpu.memory_space<hbm>> -> memref<512x128xf32, #tpu.memory_space<hbm>>
      tpu.wait_dma2 semaphore(%run_scoped3A : memref<!tpu.dma_semaphore, #tpu.memory_space<semaphore_mem>>) src(%arg9 : memref<512x128xf32, #tpu.memory_space<vmem>>) dst(%dma_wait3A_70 : memref<512x128xf32, #tpu.memory_space<hbm>>)
      tpu.yield
    }) : () -> ()
    return
  }
}

module attributes {stable_mosaic.version = 14 : i64} {
  func.func @_relu_t_body(%arg0: i32, %arg1: memref<2048x128xf32, #tpu.memory_space<vmem>>, %arg2: memref<128x2048xf32, #tpu.memory_space<vmem>>) attributes {dimension_semantics = [#tpu.dimension_semantics<arbitrary>], iteration_bounds = array<i64: 8>, scalar_prefetch = 0 : i64, scratch_operands = 0 : i64, tpu.core_type = #tpu.core_type<tc>, window_params = [{transform_indices = @transform_0, window_bounds = array<i64: 2048, 128>}, {transform_indices = @transform_1, window_bounds = array<i64: 128, 2048>}]} {
    %get3A = arith.constant 0 : index
    %get3A_0 = arith.constant 0 : index
    %get3A_1 = vector.load %arg1[%get3A, %get3A_0] : memref<2048x128xf32, #tpu.memory_space<vmem>>, vector<2048x128xf32>
    %transpose3A = tpu.transpose %get3A_1, [1, 0] : vector<2048x128xf32> -> vector<128x2048xf32>
    %max3A = arith.constant 0.000000e+00 : f32
    %max3A_2 = vector.broadcast %max3A : f32 to vector<128x2048xf32>
    %max3A_3 = arith.maximumf %transpose3A, %max3A_2 : vector<128x2048xf32>
    %swap3A = arith.constant 0 : index
    %swap3A_4 = arith.constant 0 : index
    %swap3A_5 = vector.load %arg2[%swap3A, %swap3A_4] : memref<128x2048xf32, #tpu.memory_space<vmem>>, vector<128x2048xf32>
    tpu.vector_store %arg2[%swap3A, %swap3A_4], %max3A_3 {strides = array<i32>} : memref<128x2048xf32, #tpu.memory_space<vmem>>, vector<128x2048xf32>,
    return
  }
  func.func @transform_0(%arg0: i32) -> (i32, i32) {
    %c0_i32 = arith.constant 0 : i32
    %c0_i32_0 = arith.constant 0 : i32
    return %arg0, %c0_i32 : i32, i32
  }
  func.func @transform_1(%arg0: i32) -> (i32, i32) {
    %c0_i32 = arith.constant 0 : i32
    %c0_i32_0 = arith.constant 0 : i32
    return %c0_i32, %arg0 : i32, i32
  }
}

module attributes {stable_mosaic.version = 14 : i64} {
  func.func @_proj_body(%arg0: i32, %arg1: memref<1000x256xf32, #tpu.memory_space<vmem>>, %arg2: memref<256x128xf32, #tpu.memory_space<vmem>>, %arg3: memref<256x128xf32, #tpu.memory_space<vmem>>, %arg4: memref<1000x128xf32, #tpu.memory_space<vmem>>, %arg5: memref<1000x128xf32, #tpu.memory_space<vmem>>) attributes {dimension_semantics = [#tpu.dimension_semantics<arbitrary>], iteration_bounds = array<i64: 50>, scalar_prefetch = 0 : i64, scratch_operands = 0 : i64, tpu.core_type = #tpu.core_type<tc>, window_params = [{transform_indices = @transform_0, window_bounds = array<i64: 1000, 256>}, {pipeline_mode = #tpu.pipeline_mode<synchronous>, transform_indices = @transform_1, window_bounds = array<i64: 256, 128>}, {pipeline_mode = #tpu.pipeline_mode<synchronous>, transform_indices = @transform_2, window_bounds = array<i64: 256, 128>}, {transform_indices = @transform_3, window_bounds = array<i64: 1000, 128>}, {transform_indices = @transform_4, window_bounds = array<i64: 1000, 128>}]} {
    %get3A = arith.constant 0 : index
    %get3A_0 = arith.constant 0 : index
    %get3A_1 = vector.load %arg1[%get3A, %get3A_0] : memref<1000x256xf32, #tpu.memory_space<vmem>>, vector<1000x256xf32>
    %get3A_2 = arith.constant 0 : index
    %get3A_3 = arith.constant 0 : index
    %get3A_4 = vector.load %arg2[%get3A_2, %get3A_3] : memref<256x128xf32, #tpu.memory_space<vmem>>, vector<256x128xf32>
    %dot_general3A = arith.constant dense<0.000000e+00> : vector<1000x128xf32>
    %dot_general3A_5 = tpu.matmul %get3A_1, %get3A_4, %dot_general3A {dimension_numbers = #tpu.dot_dimension_numbers<[1], [0], [0], [1], [0, 0, 1, 1], [], []>, transpose_lhs_hint = false} : vector<1000x256xf32>, vector<256x128xf32>, vector<1000x128xf32> -> vector<1000x128xf32>
    %swap3A = arith.constant 0 : index
    %swap3A_6 = arith.constant 0 : index
    %swap3A_7 = vector.load %arg4[%swap3A, %swap3A_6] : memref<1000x128xf32, #tpu.memory_space<vmem>>, vector<1000x128xf32>
    tpu.vector_store %arg4[%swap3A, %swap3A_6], %dot_general3A_5 {strides = array<i32>} : memref<1000x128xf32, #tpu.memory_space<vmem>>, vector<1000x128xf32>,
    %get3A_8 = arith.constant 0 : index
    %get3A_9 = arith.constant 0 : index
    %get3A_10 = vector.load %arg3[%get3A_8, %get3A_9] : memref<256x128xf32, #tpu.memory_space<vmem>>, vector<256x128xf32>
    %dot_general3A_11 = arith.constant dense<0.000000e+00> : vector<1000x128xf32>
    %dot_general3A_12 = tpu.matmul %get3A_1, %get3A_10, %dot_general3A_11 {dimension_numbers = #tpu.dot_dimension_numbers<[1], [0], [0], [1], [0, 0, 1, 1], [], []>, transpose_lhs_hint = false} : vector<1000x256xf32>, vector<256x128xf32>, vector<1000x128xf32> -> vector<1000x128xf32>
    %swap3A_13 = arith.constant 0 : index
    %swap3A_14 = arith.constant 0 : index
    %swap3A_15 = vector.load %arg5[%swap3A_13, %swap3A_14] : memref<1000x128xf32, #tpu.memory_space<vmem>>, vector<1000x128xf32>
    tpu.vector_store %arg5[%swap3A_13, %swap3A_14], %dot_general3A_12 {strides = array<i32>} : memref<1000x128xf32, #tpu.memory_space<vmem>>, vector<1000x128xf32>,
    return
  }
  func.func @transform_0(%arg0: i32) -> (i32, i32) {
    %c0_i32 = arith.constant 0 : i32
    %c0_i32_0 = arith.constant 0 : i32
    return %arg0, %c0_i32 : i32, i32
  }
  func.func @transform_1(%arg0: i32) -> (i32, i32) {
    %c0_i32 = arith.constant 0 : i32
    %c0_i32_0 = arith.constant 0 : i32
    %c0_i32_1 = arith.constant 0 : i32
    return %c0_i32, %c0_i32_0 : i32, i32
  }
  func.func @transform_2(%arg0: i32) -> (i32, i32) {
    %c0_i32 = arith.constant 0 : i32
    %c0_i32_0 = arith.constant 0 : i32
    %c0_i32_1 = arith.constant 0 : i32
    return %c0_i32, %c0_i32_0 : i32, i32
  }
  func.func @transform_3(%arg0: i32) -> (i32, i32) {
    %c0_i32 = arith.constant 0 : i32
    %c0_i32_0 = arith.constant 0 : i32
    return %arg0, %c0_i32 : i32, i32
  }
  func.func @transform_4(%arg0: i32) -> (i32, i32) {
    %c0_i32 = arith.constant 0 : i32
    %c0_i32_0 = arith.constant 0 : i32
    return %arg0, %c0_i32 : i32, i32
  }
}

</mosaic_0001>

<sc_bundles>
// kernel: kernel.5.cloned.1.call-start
scs
__scs_entry_jumppad:
0x0: {  	(pc) =	sbr.rel $0x88, $3  }
0x1: {  	(tag) =	ssettag $0x0;
	lr =	simm.s32 $0x1  }
0x2: {  	[smem:$0x3F9D] =	sst lr;
	_ =	strace $0xD0000000  }
0x3: {  	_ = 	snop  }
0x4: {  	_ = 	snop  }
0x5: {  	_ = 	snop  }
0x6: {  	_ = 	snop  }
0x7: {  	_ = 	snop  }
__scs_overlays_trampoline_lowered:
0x8: {  	[smem:$0x3FAC] =	sst s0  }
0x9: {  	[smem:$0x3FAD] =	sst s1  }
0xa: {  	[smem:$0x3FAE] =	sst s2  }
0xb: {  	[smem:$0x3FAF] =	sst s3  }
0xc: {  	[smem:$0x3FB0] =	sst s4  }
0xd: {  	[smem:$0x3FB1] =	sst s5  }
0xe: {  	[smem:$0x3FB2] =	sst s6  }
0xf: {  	[smem:$0x3FB3] =	sst s7  }
0x10: {  	[smem:$0x3FB4] =	sst s8  }
0x11: {  	[smem:$0x3FB5] =	sst s9;
	s0 =	simm.s32 @!p0 $0x0  }
0x12: {  	s1 =	sld [smem:$0x3F9B];
	s0 =	simm.s32 @p0 $0x1  }
0x13: {  	[smem:$0x3FB6] =	sst s0;
	s0 =	simm.s32 @!p1 $0x0  }
0x14: {  	s2 =	sld [smem:$0x3F9A];
	s0 =	simm.s32 @p1 $0x1  }
0x15: {  	[smem:$0x3FB7] =	sst s0;
	s0 =	simm.s32 @!p2 $0x0  }
0x16: {  	s3 =	sld [smem:$0x3FDB];
	s0 =	simm.s32 @p2 $0x1  }
0x17: {  	s4 =	simm.s32 $0x1BF5;
	[smem:$0x3FB9] =	sst s0  }
0x18: {  	s0 =	sld [smem:$0x3F9C];
	_ =	swait.ge [sflag:s4], $0x0  }
0x19: {  	s7 =	sld [smem:$0x3F9D]  }
0x1a: {  	s8 =	sadd.s32 $0xFFFFE003, lr  }
0x1b: {  	s9 =	sadd.s32 $0xFFFFFEF7, lr;
	s5 =	simm.s32 $0xFFFFFFFF;
	p2 =	slt.u32 s8, $0xFFFFF086  }
0x1c: {  	p1 =	slt.u32 s9, $0xF7A;
	s5 =	simm.s32 @!p2 $0x0  }
0x1d: {  	s5 =	simm.s32 @p1 $0x1;
	p0 =	seq.s32 s7, s2  }
0x1e: {  	s7 =	smul.u32 @!p0 $0xF7A, s2;
	p2 =	seq.s32 @!p0 s5, $0x0  }
0x1f: {  	s9 =	smul.u32 $0xF7A, s1;
	s8 =	simm.s32 @!p0 $0x1BF5;
	p2 =	por !p2, p0  }
0x20: {  	[sflag:s8] =	ssyncset.s32 @!p0 $0xFFFFF086;
	s6 =	sadd.s32 @!p0 s3, s7;
	s7 =	simm.s32 @!p0 $0x108  }
0x21: {  	s3 =	sadd.s32 s3, s9;
	s6 =	sadd.s32 @!p0 $0x88, s6;
	s7 =	simm.s32 @p2 $0x1082  }
0x22: {  	[simem:s7], [sflag:s8] =	dma.local @!p0 [hbm:s6], $0xF7A  }
0x23: {  	s9 =	sor.u32 $0xD0000000, s2;
	s6 =	simm.s32 $0x108;
	_ =	swait.ge @!p0 [sflag:s8], $0x0  }
0x24: {  	s3 =	sadd.s32 $0x88, s3;
	s6 =	simm.s32 @!p1 $0x1082;
	[sflag:s4] =	ssyncset.s32 $0xFFFFF086  }
0x25: {  	[simem:s6], [sflag:s4] =	dma.local [hbm:s3], $0xF7A  }
0x26: {  	[smem:$0x3F9D] =	sst s1;
	(tag) =	ssettag s2;
	_ =	strace s9  }
0x27: {  	s1 =	sld [smem:$0x3FAD]  }
0x28: {  	s2 =	sld [smem:$0x3FAE]  }
0x29: {  	s4 =	sld [smem:$0x3FB0]  }
0x2a: {  	p0 =	seq.s32 s5, $0x0;
	s5 =	sld [smem:$0x3FB1]  }
0x2b: {  	s6 =	sld [smem:$0x3FB2]  }
0x2c: {  	s7 =	sld [smem:$0x3FB3]  }
0x2d: {  	s3 =	simm.s32 $0x108;
	s8 =	sld [smem:$0x3FB4]  }
0x2e: {  	s3 =	simm.s32 @!p0 $0x1082;
	s9 =	sld [smem:$0x3FB5]  }
0x2f: {  	lr =	sadd.s32 s0, s3;
	s0 =	sld [smem:$0x3FAC]  }
0x30: {  	s3 =	sld [smem:$0x3FAF]  }
0x31: {  	[smem:$0x3FB8] =	sst s10  }
0x32: {  	s10 =	sld [smem:$0x3FB6];
	_ =	sdelay $0x3  }
0x33: {  	p0 =	seq.s32 s10, $0x1;
	s10 =	sld [smem:$0x3FB8];
	_ =	sdelay $0x3  }
0x34: {  	[smem:$0x3FB8] =	sst s10  }
0x35: {  	s10 =	sld [smem:$0x3FB7];
	_ =	sdelay $0x3  }
0x36: {  	p1 =	seq.s32 s10, $0x1;
	s10 =	sld [smem:$0x3FB8];
	_ =	sdelay $0x3  }
0x37: {  	[smem:$0x3FB8] =	sst s10  }
0x38: {  	s10 =	sld [smem:$0x3FB9]  }
0x39: {  	_ = 	snop;
	(pc) =	sbr.ind lr, $3  }
0x3a: {  	_ = 	snop  }
0x3b: {  	_ = 	snop  }
0x3c: {  	p2 =	seq.s32 s10, $0x1;
	s10 =	sld [smem:$0x3FB8]  }
0x3d: {  	_ =	shalt  }
0x3e: {  	_ =	shalt  }
0x3f: {  	_ =	shalt  }
0x40: {  	_ =	shalt  }
0x41: {  	_ =	shalt  }
0x42: {  	_ =	shalt  }
0x43: {  	_ =	shalt  }
0x44: {  	_ =	shalt  }
0x45: {  	_ =	shalt  }
0x46: {  	_ =	shalt  }
0x47: {  	_ =	shalt  }
0x48: {  	_ =	shalt  }
0x49: {  	_ =	shalt  }
0x4a: {  	_ =	shalt  }
0x4b: {  	_ =	shalt  }
0x4c: {  	_ =	shalt  }
0x4d: {  	_ =	shalt  }
0x4e: {  	_ =	shalt  }
0x4f: {  	_ =	shalt  }
0x50: {  	_ =	shalt  }
0x51: {  	_ =	shalt  }
0x52: {  	_ =	shalt  }
0x53: {  	_ =	shalt  }
0x54: {  	_ =	shalt  }
0x55: {  	_ =	shalt  }
0x56: {  	_ =	shalt  }
0x57: {  	_ =	shalt  }
0x58: {  	_ =	shalt  }
0x59: {  	_ =	shalt  }
0x5a: {  	_ =	shalt  }
0x5b: {  	_ =	shalt  }
0x5c: {  	_ =	shalt  }
0x5d: {  	_ =	shalt  }
0x5e: {  	_ =	shalt  }
0x5f: {  	_ =	shalt  }
0x60: {  	_ =	shalt  }
0x61: {  	_ =	shalt  }
0x62: {  	_ =	shalt  }
0x63: {  	_ =	shalt  }
0x64: {  	_ =	shalt  }
0x65: {  	_ =	shalt  }
0x66: {  	_ =	shalt  }
0x67: {  	_ =	shalt  }
0x68: {  	_ =	shalt  }
0x69: {  	_ =	shalt  }
0x6a: {  	_ =	shalt  }
0x6b: {  	_ =	shalt  }
0x6c: {  	_ =	shalt  }
0x6d: {  	_ =	shalt  }
0x6e: {  	_ =	shalt  }
0x6f: {  	_ =	shalt  }
0x70: {  	_ =	shalt  }
0x71: {  	_ =	shalt  }
0x72: {  	_ =	shalt  }
0x73: {  	_ =	shalt  }
0x74: {  	_ =	shalt  }
0x75: {  	_ =	shalt  }
0x76: {  	_ =	shalt  }
0x77: {  	_ =	shalt  }
0x78: {  	_ =	shalt  }
0x79: {  	_ =	shalt  }
0x7a: {  	_ =	shalt  }
0x7b: {  	_ =	shalt  }
0x7c: {  	_ =	shalt  }
0x7d: {  	_ =	shalt  }
0x7e: {  	_ =	shalt  }
0x7f: {  	_ =	shalt  }
0x80: {  	_ =	shalt  }
0x81: {  	_ =	shalt  }
0x82: {  	_ =	shalt  }
0x83: {  	_ =	shalt  }
0x84: {  	_ =	shalt  }
0x85: {  	_ =	shalt  }
0x86: {  	_ =	shalt  }
0x87: {  	_ =	shalt  }
.Lfunc_end0:
.L_simem_size_0:
called_computation_lowered:
.L_overlay_start_0:
0x88: {  	s2 =	sld [smem:$0x3FD9]  }
0x89: {  	s3 =	sld [smem:$0x3FFE];
	_ =	sdelay $0x1  }
0x8a: {  	s1 =	srdreg.scid  }
0x8b: {  	s0 =	sand.u32 $0x1, s1  }
0x8c: {  	s17 =	sshll.u32 s0, $0xA;
	s2 =	sadd.s32 s3, s2  }
0x8d: {  	s2 =	sadd.s32 s2, s17  }
0x8e: {  	[smem:$0x3FC4] =	sst s2  }
0x8f: {  	_ = 	snop  }
0x90: {  	s2 =	sld [smem:$0x3FC9]  }
0x91: {  	s18 =	sld [smem:$0x3FC8]  }
0x92: {  	s4 =	sld [smem:$0x3FD0];
	(tm) =	ssettm $0x1  }
0x93: {  	s5 =	sld [smem:$0x3FFB];
	_ =	sdelay $0x3  }
0x94: {  	_ =	strace s5  }
0x95: {  	s5 =	sld [smem:$0x3FFC];
	_ =	sdelay $0x3  }
0x96: {  	_ =	strace s5  }
0x97: {  	s5 =	sld [smem:$0x3FFD];
	_ =	sdelay $0x3  }
0x98: {  	_ =	strace s5  }
0x99: {  	_ =	strace $0x8FFFFFFF  }
0x9a: {  	s19 =	sld [smem:$0x3FDB];
	_ =	sdelay $0x1  }
0x9b: {  	s6 =	simm.s32 $_scs_section_size  }
0x9c: {  	s7 =	simm.s32 $_size__tile_overlayer_lowered;
	s8 =	simm.s32 $_tile_overlayer_lowered  }
0x9d: {  	s22 =	simm.s32 $0x1BFF;
	s21 =	sshll.u32 s8, $0x1;
	s5 =	sadd.s32 s6, s19  }
0x9e: {  	s9 =	simm.s32 $0x0;
	s20 =	sshll.u32 s7, $0x1;
	s7 =	sadd.s32 s21, s5  }
0x9f: {  	[timem:s9], [sflag:s22] =	dma.local [hbm:s7], s20  }
0xa0: {  	_ =	swait.ge [sflag:s22], s20  }
0xa1: {  	s6 =	ssub.s32 $0x0, s20;
	[sflag:s22] =	ssyncset.done $0x0  }
0xa2: {  	[sflag:s22] =	ssyncadd.s32 s6;
	_ =	sdelay $0x1  }
0xa3: {  	s23 =	simm.s32 $0x1B8B  }
0xa4: {  	_ =	swait.ge [sflag:s23], $0x1  }
0xa5: {  	[sflag:s23] =	ssyncset.done $0x0  }
0xa6: {  	s25 =	simm.s32 $0x1B8E;
	s24 =	sld [smem:$0x3FFE];
	[sflag:s23] =	ssyncadd.s32 $0xFFFFFFFF  }
0xa7: {  	s26 =	simm.s32 $execute0_lowered;
	[smem:$0x3FD2] =	sst s25  }
0xa8: {  	s7 =	sshll.u32 s26, $0x1;
	_ =	strace $0x80000046;
	[dreg:$0x1] =	wrdreg $0xFFFFFFFF  }
0xa9: {  	s28 =	simm.s32 $_size_execute0_lowered;
	s5 =	sadd.s32 s5, s7;
	[dreg:$0x0] =	wrdreg $0x0  }
0xaa: {  	s7 =	sshll.u32 s28, $0x1;
	[dreg:$0x2] =	wrdreg s5  }
0xab: {  	[dreg:$0x3] =	wrdreg s7  }
0xac: {  	[dreg:$0x4] =	wrdreg $0xC0  }
0xad: {  	_ =	task [dreg:s9], $0x5FFFF  }
0xae: {  	[dreg:$0x1] =	wrdreg $0xFFFFFFFF  }
0xaf: {  	[dreg:$0x0] =	wrdreg $0x60  }
0xb0: {  	[dreg:$0x2] =	wrdreg s24  }
0xb1: {  	[dreg:$0x3] =	wrdreg s2  }
0xb2: {  	[dreg:$0x4] =	wrdreg s18  }
0xb3: {  	[dreg:$0x5] =	wrdreg s4  }
0xb4: {  	[dreg:$0x6] =	wrdreg $0x9  }
0xb5: {  	_ =	task.clear_ibuf [dreg:s9], $0x7FFFF;
	_ =	strace $0x90000046  }
0xb6: {  	s29 =	simm.s32 $0x9;
	_ =	strace $0x80000048  }
0xb7: {  	_ =	swait.ge [sflag:s29], $0x1  }
0xb8: {  	[sflag:s29] =	ssyncadd.s32 $0xFFFFFFFF  }
0xb9: {  	_ =	strace $0x90000048  }
0xba: {  	_ =	sfence  }
0xbb: {  	s30 =	sld [smem:$0x0];
	_ =	sdelay $0x2  }
0xbc: {  	s31 =	sshll.u32 s1, $0xD;
	s1 =	sshrl.u32 s1, $0x2  }
0xbd: {  	s3 =	sand.u32 $0x4000, s31;
	s1 =	sadd.s32 s1, s30  }
0xbe: {  	s0 =	sor.u32 s3, s0;
	s1 =	sshll.u32 s1, $0x11  }
0xbf: {  	s0 =	sor.u32 s1, s0  }
0xc0: {  	s0 =	sadd.s32 $0x8F2B, s0  }
0xc1: {  	[sflag:s0] =	ssyncadd.remote.s32 $0x1  }
0xc2: {  	_ =	sfence.sel $0xFFFF  }
0xc3: {  	[dreg:$0x0] =	wrdreg $0xFFFFFFFF;
	(pc) =	sbr.abs _section_cstart, $3  }
0xc4: {  	[dreg:$0x1] =	wrdreg $0xFFFFFFFF  }
0xc5: {  	_ =	task.clear_ibuf [dreg:s9], $0x2FFFF;
	_ =	strace $0x9FFFFFFF  }
0xc6: {  	(tm) =	ssettm $0x7FFFFFFF  }
0xc7: {  	_ =	shalt  }
tec
execute0_lowered:
.L_overlay_start_1:
0x0: {  	(tag) =	ssettag $0x1  }
0x1: {  	s4 =	rddreg [dreg:$0x0]  }
0x2: {  	s5 =	rddreg [dreg:$0x1]  }
0x3: {  	s6 =	rddreg [dreg:$0x2]  }
0x4: {  	s7 =	rddreg [dreg:$0x3]  }
0x5: {  	s0 =	rddreg [dreg:$0x4]  }
0x6: {  	s2 =	simm.s32 $0x0;
	s3 =	srdreg.scid;
	s1 =	stileid.u32  }
0x7: {  	s12 =	simm.s32 $0x1;
	s13 =	simm.s32 $0x80;
	s14 =	simm.s32 $0x4200  }
0x8: {  	s15 =	simm.s32 $0x8200;
	s16 =	simm.s32 $0x100;
	s17 =	simm.s32 $0xC200  }
0x9: {  	s18 =	simm.s32 $0x180;
	s19 =	simm.s32 $0x10200;
	s20 =	simm.s32 $0x2  }
0xa: {  	s21 =	simm.s32 $0x0;
	[smem:$0x7FF] =	sst s2;
	s3 =	sand.u32 $0x1, s3  }
0xb: {  	s9 =	sshll.u32 s1, $0xA;
	_ =	strace $0x80000047;
	s8 =	ssub.s32 $0x2, s3  }
0xc: {  	s10 =	sshll.u32 s3, $0x9;
	s3 =	sadd.s32 $0xA00, s4;
	s11 =	sshrl.u32 s8, $0x1  }
0xd: {  	s4 =	sadd.s32 $0xC4000, s4;
	s9 =	sor.u32 s10, s9;
	s8 =	ssub.s32 s8, s11  }
0xe: {  	s10 =	sshrl.u32 s9, $0x3;
	s6 =	sadd.s32 s6, s9;
	s9 =	sshll.u32 s9, $0x4  }
0xf: {  	s11 =	simm.s32 $0x200;
	s5 =	sadd.s32 s5, s10;
	s7 =	sadd.s32 s7, s9  }
0x10: {  	v0 =	vimm.f32 $0.0e+00;
	s8 =	smax.u32 s8, $0x1;
	s9 =	simm.s32 $0x1000;
	s10 =	simm.s32 $0x20000  }
.LBB2_1:
0x11: {  	[tilespmem:s2], [sflag:$0x1] =	stream.linear.gather [hbm4b:s5+s2], $0x200, $0x38;
	[tilespmem:$0x14200] =	vst v63  }
0x12: {  	s22 =	simm.s32 $0x0;
	s23 =	simm.s32 $0x1000  }
0x13: {  	[tilespmem:s11], [sflag:$0x1] =	stream.strided.gather [hbm4b:s6+s9], $0x4000, s10, s9, $0x38;
	[tilespmem:$0x14200] =	vst v63  }
.LBB2_2:
0x14: {  	p0 =	sne.s32 s23, $0x3F000;
	[tilespmem:s22+$0x45F0] =	vst v0  }
0x15: {  	[tilespmem:s22+$0x4200] =	vst v0  }
0x16: {  	[tilespmem:s22+$0x4210] =	vst v0  }
0x17: {  	[tilespmem:s22+$0x4220] =	vst v0  }
0x18: {  	[tilespmem:s22+$0x4230] =	vst v0  }
0x19: {  	[tilespmem:s22+$0x4240] =	vst v0  }
0x1a: {  	[tilespmem:s22+$0x4250] =	vst v0  }
0x1b: {  	[tilespmem:s22+$0x4260] =	vst v0  }
0x1c: {  	[tilespmem:s22+$0x4270] =	vst v0  }
0x1d: {  	[tilespmem:s22+$0x4280] =	vst v0  }
0x1e: {  	[tilespmem:s22+$0x4290] =	vst v0  }
0x1f: {  	[tilespmem:s22+$0x42A0] =	vst v0  }
0x20: {  	[tilespmem:s22+$0x42B0] =	vst v0  }
0x21: {  	[tilespmem:s22+$0x42C0] =	vst v0  }
0x22: {  	[tilespmem:s22+$0x42D0] =	vst v0  }
0x23: {  	[tilespmem:s22+$0x42E0] =	vst v0  }
0x24: {  	[tilespmem:s22+$0x42F0] =	vst v0  }
0x25: {  	[tilespmem:s22+$0x4300] =	vst v0  }
0x26: {  	[tilespmem:s22+$0x4310] =	vst v0  }
0x27: {  	[tilespmem:s22+$0x4320] =	vst v0  }
0x28: {  	[tilespmem:s22+$0x4330] =	vst v0  }
0x29: {  	[tilespmem:s22+$0x4340] =	vst v0  }
0x2a: {  	[tilespmem:s22+$0x4350] =	vst v0  }
0x2b: {  	[tilespmem:s22+$0x4360] =	vst v0  }
0x2c: {  	[tilespmem:s22+$0x4370] =	vst v0  }
0x2d: {  	[tilespmem:s22+$0x4380] =	vst v0  }
0x2e: {  	[tilespmem:s22+$0x4390] =	vst v0  }
0x2f: {  	[tilespmem:s22+$0x43A0] =	vst v0  }
0x30: {  	[tilespmem:s22+$0x43B0] =	vst v0  }
0x31: {  	[tilespmem:s22+$0x43C0] =	vst v0  }
0x32: {  	[tilespmem:s22+$0x43D0] =	vst v0  }
0x33: {  	[tilespmem:s22+$0x43E0] =	vst v0  }
0x34: {  	[tilespmem:s22+$0x43F0] =	vst v0  }
0x35: {  	[tilespmem:s22+$0x4400] =	vst v0  }
0x36: {  	[tilespmem:s22+$0x4410] =	vst v0  }
0x37: {  	[tilespmem:s22+$0x4420] =	vst v0  }
0x38: {  	[tilespmem:s22+$0x4430] =	vst v0  }
0x39: {  	[tilespmem:s22+$0x4440] =	vst v0  }
0x3a: {  	[tilespmem:s22+$0x4450] =	vst v0  }
0x3b: {  	[tilespmem:s22+$0x4460] =	vst v0  }
0x3c: {  	[tilespmem:s22+$0x4470] =	vst v0  }
0x3d: {  	[tilespmem:s22+$0x4480] =	vst v0  }
0x3e: {  	[tilespmem:s22+$0x4490] =	vst v0  }
0x3f: {  	[tilespmem:s22+$0x44A0] =	vst v0  }
0x40: {  	[tilespmem:s22+$0x44B0] =	vst v0  }
0x41: {  	[tilespmem:s22+$0x44C0] =	vst v0  }
0x42: {  	[tilespmem:s22+$0x44D0] =	vst v0  }
0x43: {  	[tilespmem:s22+$0x44E0] =	vst v0  }
0x44: {  	[tilespmem:s22+$0x44F0] =	vst v0  }
0x45: {  	[tilespmem:s22+$0x4500] =	vst v0  }
0x46: {  	[tilespmem:s22+$0x4510] =	vst v0  }
0x47: {  	[tilespmem:s22+$0x4520] =	vst v0  }
0x48: {  	[tilespmem:s22+$0x4530] =	vst v0  }
0x49: {  	[tilespmem:s22+$0x4540] =	vst v0  }
0x4a: {  	[tilespmem:s22+$0x4550] =	vst v0  }
0x4b: {  	[tilespmem:s22+$0x4560] =	vst v0  }
0x4c: {  	[tilespmem:s22+$0x4570] =	vst v0  }
0x4d: {  	[tilespmem:s22+$0x4580] =	vst v0  }
0x4e: {  	[tilespmem:s22+$0x4590] =	vst v0  }
.Ltmp0:
0x4f: {  	[tilespmem:s22+$0x45A0] =	vst v0;
	(pc) =	sbr.rel @p0 .LBB2_2-.Ltmp0, $4  }
0x50: {  	[tilespmem:s22+$0x45B0] =	vst v0  }
0x51: {  	[tilespmem:s22+$0x45C0] =	vst v0  }
0x52: {  	[tilespmem:s22+$0x45D0] =	vst v0  }
0x53: {  	[tilespmem:s22+$0x45E0] =	vst v0;
	s22 =	sshra.s32 s23, $0x2;
	s23 =	sadd.s32 $0x1000, s23  }
0x54: {  	[tilespmem:s22+$0x45F0] =	vst v0  }
0x55: {  	[tilespmem:s22+$0x4200] =	vst v0  }
0x56: {  	[tilespmem:s22+$0x4210] =	vst v0  }
0x57: {  	[tilespmem:s22+$0x4220] =	vst v0  }
0x58: {  	[tilespmem:s22+$0x4230] =	vst v0  }
0x59: {  	[tilespmem:s22+$0x4240] =	vst v0  }
0x5a: {  	[tilespmem:s22+$0x4250] =	vst v0  }
0x5b: {  	[tilespmem:s22+$0x4260] =	vst v0  }
0x5c: {  	[tilespmem:s22+$0x4270] =	vst v0  }
0x5d: {  	[tilespmem:s22+$0x4280] =	vst v0  }
0x5e: {  	[tilespmem:s22+$0x4290] =	vst v0  }
0x5f: {  	[tilespmem:s22+$0x42A0] =	vst v0  }
0x60: {  	[tilespmem:s22+$0x42B0] =	vst v0  }
0x61: {  	[tilespmem:s22+$0x42C0] =	vst v0  }
0x62: {  	[tilespmem:s22+$0x42D0] =	vst v0  }
0x63: {  	[tilespmem:s22+$0x42E0] =	vst v0  }
0x64: {  	[tilespmem:s22+$0x42F0] =	vst v0  }
0x65: {  	[tilespmem:s22+$0x4300] =	vst v0  }
0x66: {  	[tilespmem:s22+$0x4310] =	vst v0  }
0x67: {  	[tilespmem:s22+$0x4320] =	vst v0  }
0x68: {  	[tilespmem:s22+$0x4330] =	vst v0  }
0x69: {  	[tilespmem:s22+$0x4340] =	vst v0  }
0x6a: {  	[tilespmem:s22+$0x4350] =	vst v0  }
0x6b: {  	[tilespmem:s22+$0x4360] =	vst v0  }
0x6c: {  	[tilespmem:s22+$0x4370] =	vst v0  }
0x6d: {  	[tilespmem:s22+$0x4380] =	vst v0  }
0x6e: {  	[tilespmem:s22+$0x4390] =	vst v0  }
0x6f: {  	[tilespmem:s22+$0x43A0] =	vst v0  }
0x70: {  	[tilespmem:s22+$0x43B0] =	vst v0  }
0x71: {  	[tilespmem:s22+$0x43C0] =	vst v0  }
0x72: {  	[tilespmem:s22+$0x43D0] =	vst v0  }
0x73: {  	[tilespmem:s22+$0x43E0] =	vst v0  }
0x74: {  	[tilespmem:s22+$0x43F0] =	vst v0  }
0x75: {  	[tilespmem:s22+$0x4400] =	vst v0  }
0x76: {  	[tilespmem:s22+$0x4410] =	vst v0  }
0x77: {  	[tilespmem:s22+$0x4420] =	vst v0  }
0x78: {  	[tilespmem:s22+$0x4430] =	vst v0  }
0x79: {  	[tilespmem:s22+$0x4440] =	vst v0  }
0x7a: {  	[tilespmem:s22+$0x4450] =	vst v0  }
0x7b: {  	[tilespmem:s22+$0x4460] =	vst v0  }
0x7c: {  	[tilespmem:s22+$0x4470] =	vst v0  }
0x7d: {  	[tilespmem:s22+$0x4480] =	vst v0  }
0x7e: {  	[tilespmem:s22+$0x4490] =	vst v0  }
0x7f: {  	[tilespmem:s22+$0x44A0] =	vst v0  }
0x80: {  	[tilespmem:s22+$0x44B0] =	vst v0  }
0x81: {  	[tilespmem:s22+$0x44C0] =	vst v0  }
0x82: {  	[tilespmem:s22+$0x44D0] =	vst v0  }
0x83: {  	[tilespmem:s22+$0x44E0] =	vst v0  }
0x84: {  	[tilespmem:s22+$0x44F0] =	vst v0  }
0x85: {  	[tilespmem:s22+$0x4500] =	vst v0  }
0x86: {  	[tilespmem:s22+$0x4510] =	vst v0  }
0x87: {  	[tilespmem:s22+$0x4520] =	vst v0  }
0x88: {  	[tilespmem:s22+$0x4530] =	vst v0  }
0x89: {  	[tilespmem:s22+$0x4540] =	vst v0  }
0x8a: {  	[tilespmem:s22+$0x4550] =	vst v0  }
0x8b: {  	[tilespmem:s22+$0x4560] =	vst v0  }
0x8c: {  	[tilespmem:s22+$0x4570] =	vst v0  }
0x8d: {  	[tilespmem:s22+$0x4580] =	vst v0  }
0x8e: {  	[tilespmem:s22+$0x4590] =	vst v0  }
0x8f: {  	[tilespmem:s22+$0x45A0] =	vst v0  }
0x90: {  	[tilespmem:s22+$0x45B0] =	vst v0  }
0x91: {  	[tilespmem:s22+$0x45C0] =	vst v0  }
0x92: {  	[tilespmem:s22+$0x45D0] =	vst v0  }
0x93: {  	[tilespmem:s22+$0x45E0] =	vst v0  }
0x94: {  	_ =	swait.ge [sflag:s12], $0x200  }
0x95: {  	[sflag:s12] =	ssyncset.done $0x0  }
0x96: {  	[sflag:s12] =	ssyncadd.s32 $0xFFFFFE00  }
0x97: {  	_ =	swait.ge [sflag:s12], $0x4000  }
0x98: {  	[sflag:s12] =	ssyncset.done $0x0  }
0x99: {  	s22 =	simm.s32 $0x0;
	[sflag:s12] =	ssyncadd.s32 $0xFFFFC000  }
0x9a: {  	[tilespmem:s14], [sflag:$0x1] =	stream.indirect.gather.add.f32 [hbm:s3], $0x80, s22, s13, $0xb8;
	[tilespmem:$0x14200] =	vst v63  }
0x9b: {  	_ = 	snop  }
0x9c: {  	[tilespmem:s15], [sflag:$0x1] =	stream.indirect.gather.add.f32 [hbm:s3], $0x80, s13, s13, $0xb8;
	[tilespmem:$0x14200] =	vst v63  }
0x9d: {  	s23 =	sand.u32 $0x3000, s22;
	s24 =	sand.u32 $0x380, s22  }
0x9e: {  	[tilespmem:s17], [sflag:$0x1] =	stream.indirect.gather.add.f32 [hbm:s3], $0x80, s16, s13, $0xb8;
	[tilespmem:$0x14200] =	vst v63  }
0x9f: {  	s23 =	sor.u32 s24, s23;
	s24 =	simm.s32 $0x200  }
0xa0: {  	[tilespmem:s19], [sflag:$0x1] =	stream.indirect.gather.add.f32 [hbm:s3], $0x80, s18, s13, $0xb8;
	[tilespmem:$0x14200] =	vst v63  }
.LBB2_4:
0xa1: {  	p0 =	sne.s32 s24, $0x3E00;
	s25 =	sadd.s32 $0x200, s23  }
0xa2: {  	[tilespmem:s14], [sflag:$0x1] =	stream.indirect.gather.add.f32 [hbm:s4], $0x80, s25, s13, $0xb8;
	[tilespmem:$0x14200] =	vst v63  }
0xa3: {  	s25 =	sadd.s32 $0x600, s23  }
0xa4: {  	[tilespmem:s15], [sflag:$0x1] =	stream.indirect.gather.add.f32 [hbm:s4], $0x80, s25, s13, $0xb8;
	[tilespmem:$0x14200] =	vst v63  }
.Ltmp1:
0xa5: {  	s22 =	sadd.s32 $0x80, s22;
	s25 =	sadd.s32 $0xA00, s23;
	(pc) =	sbr.rel @p0 .LBB2_4-.Ltmp1, $4  }
0xa6: {  	[tilespmem:s17], [sflag:$0x1] =	stream.indirect.gather.add.f32 [hbm:s4], $0x80, s25, s13, $0xb8;
	[tilespmem:$0x14200] =	vst v63  }
0xa7: {  	s26 =	sand.u32 $0x380, s22;
	s23 =	sadd.s32 $0xE00, s23;
	s25 =	sand.u32 $0x3000, s24  }
0xa8: {  	[tilespmem:s19], [sflag:$0x1] =	stream.indirect.gather.add.f32 [hbm:s4], $0x80, s23, s13, $0xb8;
	[tilespmem:$0x14200] =	vst v63  }
0xa9: {  	s24 =	sadd.s32 $0x200, s24;
	s23 =	sor.u32 s26, s25  }
0xaa: {  	s22 =	sadd.s32 $0x200, s23  }
0xab: {  	[tilespmem:s14], [sflag:$0x1] =	stream.indirect.gather.add.f32 [hbm:s4], $0x80, s22, s13, $0xb8;
	[tilespmem:$0x14200] =	vst v63  }
0xac: {  	s29 =	sadd.s32 $0x600, s23  }
0xad: {  	[tilespmem:s15], [sflag:$0x1] =	stream.indirect.gather.add.f32 [hbm:s4], $0x80, s29, s13, $0xb8;
	[tilespmem:$0x14200] =	vst v63  }
0xae: {  	s30 =	sadd.s32 $0xA00, s23  }
0xaf: {  	[tilespmem:s17], [sflag:$0x1] =	stream.indirect.gather.add.f32 [hbm:s4], $0x80, s30, s13, $0xb8;
	[tilespmem:$0x14200] =	vst v63  }
0xb0: {  	s31 =	sadd.s32 $0xE00, s23  }
0xb1: {  	[tilespmem:s19], [sflag:$0x1] =	stream.indirect.gather.add.f32 [hbm:s4], $0x80, s31, s13, $0xb8;
	[tilespmem:$0x14200] =	vst v63  }
0xb2: {  	_ =	swait.ge [sflag:s12], $0x4000  }
0xb3: {  	[sflag:s12] =	ssyncset.done $0x0  }
0xb4: {  	[sflag:s12] =	ssyncadd.s32 $0xFFFFC000  }
0xb5: {  	_ =	swait.ge [sflag:s12], $0x4000  }
0xb6: {  	[sflag:s12] =	ssyncset.done $0x0  }
0xb7: {  	[sflag:s12] =	ssyncadd.s32 $0xFFFFC000  }
0xb8: {  	_ =	swait.ge [sflag:s12], $0x4000  }
0xb9: {  	[sflag:s12] =	ssyncset.done $0x0  }
0xba: {  	[sflag:s12] =	ssyncadd.s32 $0xFFFFC000  }
0xbb: {  	_ =	swait.ge [sflag:s12], $0x4000  }
0xbc: {  	s22 =	simm.s32 $0x20;
	[sflag:s12] =	ssyncset.done $0x0  }
.LBB2_6:
0xbd: {  	p0 =	sne.s32 s22, $0x1;
	s22 =	sadd.s32 $0xFFFFFFFF, s22;
	[sflag:s12] =	ssyncadd.s32 $0xFFFFC000  }
0xbe: {  	_ =	swait.ge [sflag:s12], $0x4000  }
0xbf: {  	[sflag:s12] =	ssyncset.done $0x0  }
0xc0: {  	[sflag:s12] =	ssyncadd.s32 $0xFFFFC000  }
0xc1: {  	_ =	swait.ge [sflag:s12], $0x4000  }
0xc2: {  	[sflag:s12] =	ssyncset.done $0x0  }
0xc3: {  	[sflag:s12] =	ssyncadd.s32 $0xFFFFC000  }
.Ltmp2:
0xc4: {  	_ =	swait.ge [sflag:s12], $0x4000;
	(pc) =	sbr.rel @p0 .LBB2_6-.Ltmp2, $4  }
0xc5: {  	[sflag:s12] =	ssyncset.done $0x0  }
0xc6: {  	[sflag:s12] =	ssyncadd.s32 $0xFFFFC000  }
0xc7: {  	_ =	swait.ge [sflag:s12], $0x4000  }
0xc8: {  	[sflag:s12] =	ssyncset.done $0x0  }
0xc9: {  	s21 =	sadd.s32 $0x1, s21  }
0xca: {  	p0 =	sne.s32 s21, s8  }
.Ltmp3:
0xcb: {  	[sflag:s12] =	ssyncadd.s32 $0xFFFFC000;
	(pc) =	sbr.rel @p0 .LBB2_1-.Ltmp3, $4  }
0xcc: {  	[hbm4b:s7+s2] =	stream.linear.scatter [tilespmem:s14], [sflag:$0x2], $0x10000, $0x38;
	[tilespmem:$0x14200] =	vst v63  }
0xcd: {  	_ =	swait.ge [sflag:s20], $0x10000  }
0xce: {  	[sflag:s20] =	ssyncset.done $0x0  }
0xcf: {  	[sflag:s20] =	ssyncadd.s32 $0xFFFF0000  }
0xd0: {  	_ =	sfence.sel $0x180000  }
0xd1: {  	[bflag:$0x0] =	sbarrier.arrive $0xFFFF  }
0xd2: {  	p0 =	sne.s32 s1, $0x0;
	_ =	strace $0x90000047  }
0xd3: {  	s0 =	sadd.s32 @!p0 $0x100000, s0;
	[bflag:$0x2] =	sbarrier.arrive $0xFFFF  }
0xd4: {  	[sflag:s0] =	ssyncadd.tile.s32 @!p0 $0x1;
	_ =	shalt  }
.Lfunc_end2:
_tile_overlayer_lowered:
.L_overlay_start_2:
0xd5: {  	(tag) =	ssettag $0x2  }
0xd6: {  	s0 =	rddreg [dreg:$0x0];
	s2 =	stileid.u32  }
0xd7: {  	s1 =	rddreg [dreg:$0x1];
	p0 =	sne.s32 s2, $0x0  }
0xd8: {  	s3 =	rddreg [dreg:$0x2];
	[bflag:$0x3] =	sbarrier.arrive $0xFFFF;
	s2 =	simm.s32 @!p0 $0x1C02  }
0xd9: {  	[timem:s3], [sflag:s2] =	dma.local @!p0 [hbm:s0], s1  }
0xda: {  	s0 =	simm.s32 @!p0 $0x2  }
0xdb: {  	_ =	swait.ge @!p0 [sflag:s0], s1  }
0xdc: {  	s1 =	ssub.s32 @!p0 $0x0, s1;
	[sflag:s0] =	ssyncset.done @!p0 $0x0  }
0xdd: {  	[sflag:s0] =	ssyncadd.s32 @!p0 s1  }
0xde: {  	[bflag:$0x3] =	sbarrier.arrive $0xFFFF  }
0xdf: {  	_ =	shalt  }

</sc_bundles>
